<compile_context>
chip_gen: v7x
topology: tpu7x:2x2x1
jax: 0.10.2.dev20260603
libtpu: 0.0.44.dev20260713+nightly
codegen_flags: <defaults>
</compile_context>

<pallas_src>
import dataclasses
import functools

import jax
import jax.numpy as jnp
from jax import lax
from jax.experimental import pallas as pl
from jax.experimental.pallas import tpu as pltpu
from jax.experimental.pallas import tpu_sc as plsc

N_NODES = 10000
N_EDGES = 160000
D_FEAT = 256
HALF = 128
N_CLASSES = 2
NC = 2
NS = 16
L = 16

CHUNK = 128
CHUNKS_PER_TILE = 80
E_TILE = CHUNK * CHUNKS_PER_TILE
E_PAD = E_TILE * NS
IDX_ROWS = E_PAD // CHUNK
ACC_ROWS = N_NODES + 112

E_W = E_PAD // (NC * NS)
BLK_W = E_W // L
DEG_ROWS = 640

_mesh = plsc.VectorSubcoreMesh(core_axis_name="c", subcore_axis_name="s")

_sc_params = pltpu.CompilerParams()
if "needs_layout_passes" in pltpu.CompilerParams.__dataclass_fields__:
    _sc_params = dataclasses.replace(_sc_params, needs_layout_passes=False)


@functools.partial(
    pl.kernel,
    out_type=jax.ShapeDtypeStruct((NC, DEG_ROWS, L), jnp.float32),
    mesh=_mesh,
    compiler_params=_sc_params,
    scratch_types=[
        pltpu.VMEM((E_W,), jnp.int32),
        pltpu.VMEM((DEG_ROWS, L), jnp.float32),
        pltpu.VMEM((5, CHUNK), jnp.int32),
        pltpu.VMEM((40, L), jnp.float32),
        pltpu.VMEM_SHARED((DEG_ROWS, L), jnp.float32),
    ],
)
def _deg_kernel(dstp_hbm, iota_hbm, out_hbm, idx_v, hist, iota_v, zrow, deg_sh):
    c = lax.axis_index("c")
    s = lax.axis_index("s")
    w = c * NS + s

    zeros16 = jnp.zeros((L,), jnp.float32)

    @pl.loop(0, DEG_ROWS)
    def _(i):
        hist[i, :] = zeros16

    @pl.loop(0, 40)
    def _(i):
        zrow[i, :] = zeros16

    pltpu.sync_copy(zrow, deg_sh.at[pl.ds(s * 40, 40)])
    pltpu.sync_copy(iota_hbm, iota_v)
    pltpu.sync_copy(dstp_hbm.at[pl.ds(w * E_W, E_W)], idx_v)
    plsc.subcore_barrier()

    ones16 = jnp.ones((L,), jnp.float32)

    @pl.loop(0, BLK_W)
    def _(j):
        d = idx_v[pl.ds(j * L, L)]
        rows = lax.shift_right_logical(d, 4)
        cols = lax.bitwise_and(d, 15)
        plsc.addupdate_scatter(hist, [rows, cols], ones16)

    for r in range(5):
        pltpu.sync_copy(
            hist.at[pl.ds(r * CHUNK, CHUNK)],
            deg_sh.at[iota_v.at[r]],
            add=True,
        )
    plsc.subcore_barrier()
    pltpu.sync_copy(deg_sh.at[pl.ds(s * 40, 40)], out_hbm.at[c, pl.ds(s * 40, 40)])


def _mm_body(x_ref, w_ref, degt_ref, z_ref, dis_ref):
    xw = jnp.dot(x_ref[...], w_ref[...], preferred_element_type=jnp.float32)
    deg = degt_ref[:, 0:1] + degt_ref[:, 1:2] + 1.0
    dis = lax.rsqrt(deg)
    z_ref[0, :, :] = xw[:, :HALF] * dis
    z_ref[1, :, :] = xw[:, HALF:] * dis
    dis_ref[...] = dis


_ROWS_BLK = 1000


def _mm(x, w1, degt):
    return pl.pallas_call(
        _mm_body,
        grid=(N_NODES // _ROWS_BLK,),
        in_specs=[
            pl.BlockSpec((_ROWS_BLK, D_FEAT), lambda i: (i, 0)),
            pl.BlockSpec((D_FEAT, D_FEAT), lambda i: (0, 0)),
            pl.BlockSpec((_ROWS_BLK, 2), lambda i: (i, 0)),
        ],
        out_specs=[
            pl.BlockSpec((NC, _ROWS_BLK, HALF), lambda i: (0, i, 0)),
            pl.BlockSpec((_ROWS_BLK, 1), lambda i: (i, 0)),
        ],
        out_shape=[
            jax.ShapeDtypeStruct((NC, N_NODES, HALF), jnp.float32),
            jax.ShapeDtypeStruct((N_NODES, 1), jnp.float32),
        ],
    )(x, w1, degt)


@functools.partial(
    pl.kernel,
    out_type=jax.ShapeDtypeStruct((NC, N_NODES, HALF), jnp.float32),
    mesh=_mesh,
    compiler_params=_sc_params,
    scratch_types=[
        pltpu.VMEM((CHUNKS_PER_TILE // 2, CHUNK), jnp.int32),
        pltpu.VMEM((CHUNKS_PER_TILE // 2, CHUNK), jnp.int32),
        pltpu.VMEM((CHUNK, HALF), jnp.float32),
        pltpu.VMEM((CHUNK, HALF), jnp.float32),
        pltpu.VMEM_SHARED((ACC_ROWS, HALF), jnp.float32),
        pltpu.SemaphoreType.DMA,
        pltpu.SemaphoreType.DMA,
    ],
)
def _agg_kernel(z_hbm, srcp_hbm, dstp_hbm, out_hbm, src_v, dst_v, buf0, buf1,
                acc_sh, sg0, sg1):
    c = lax.axis_index("c")
    s = lax.axis_index("s")

    zeros16 = jnp.zeros((L,), jnp.float32)

    @pl.loop(0, CHUNK)
    def _(i):
        for k in range(HALF // L):
            buf0[i, pl.ds(k * L, L)] = zeros16

    base = s * 632
    for off, n in ((0, 128), (128, 128), (256, 128), (384, 128), (512, 120)):
        pltpu.sync_copy(buf0.at[pl.ds(0, n)], acc_sh.at[pl.ds(base + off, n)])

    plsc.subcore_barrier()

    npass = CHUNKS_PER_TILE // 2

    for p in range(2):
        pltpu.sync_copy(
            srcp_hbm.at[c, pl.ds(s * CHUNKS_PER_TILE + p * npass, npass)], src_v)
        pltpu.sync_copy(
            dstp_hbm.at[pl.ds(s * CHUNKS_PER_TILE + p * npass, npass)], dst_v)

        pltpu.sync_copy(z_hbm.at[src_v.at[0]], buf0)

        @pl.loop(0, npass - 2, step=2)
        def _(j):
            g1 = pltpu.async_copy(z_hbm.at[src_v.at[j + 1]], buf1, sg1)
            pltpu.sync_copy(buf0, acc_sh.at[dst_v.at[j]], add=True)
            g1.wait()
            g2 = pltpu.async_copy(z_hbm.at[src_v.at[j + 2]], buf0, sg0)
            pltpu.sync_copy(buf1, acc_sh.at[dst_v.at[j + 1]], add=True)
            g2.wait()

        ge = pltpu.async_copy(z_hbm.at[src_v.at[npass - 1]], buf1, sg1)
        pltpu.sync_copy(buf0, acc_sh.at[dst_v.at[npass - 2]], add=True)
        ge.wait()
        pltpu.sync_copy(buf1, acc_sh.at[dst_v.at[npass - 1]], add=True)

    plsc.subcore_barrier()
    rows = s * 624
    pltpu.sync_copy(
        acc_sh.at[pl.ds(rows, 624)], out_hbm.at[c, pl.ds(rows, 624)]
    )

    @pl.when(s == 0)
    def _():
        pltpu.sync_copy(
            acc_sh.at[pl.ds(9984, 16)], out_hbm.at[c, pl.ds(9984, 16)]
        )


def _fin_body(acc_ref, z_ref, dis_ref, b1_ref, wfc_ref, bfc_ref, out_ref, s_acc):
    i = pl.program_id(0)
    dis = dis_ref[...]
    h0 = jnp.maximum(dis * (acc_ref[0, :, :] + z_ref[0, :, :]) + b1_ref[0:1, :], 0.0)
    h1 = jnp.maximum(dis * (acc_ref[1, :, :] + z_ref[1, :, :]) + b1_ref[1:2, :], 0.0)
    p0 = jnp.sum(h0, axis=0, keepdims=True)
    p1 = jnp.sum(h1, axis=0, keepdims=True)

    @pl.when(i == 0)
    def _():
        s_acc[0:1, :] = p0
        s_acc[1:2, :] = p1

    @pl.when(i > 0)
    def _():
        s_acc[0:1, :] = s_acc[0:1, :] + p0
        s_acc[1:2, :] = s_acc[1:2, :] + p1

    @pl.when(i == pl.num_programs(0) - 1)
    def _():
        h = s_acc[...] * (1.0 / N_NODES)
        logits = (
            jnp.dot(h[0:1, :], wfc_ref[pl.ds(0, HALF), :],
                    preferred_element_type=jnp.float32)
            + jnp.dot(h[1:2, :], wfc_ref[pl.ds(HALF, HALF), :],
                      preferred_element_type=jnp.float32)
            + bfc_ref[...]
        )
        m = jnp.max(logits, axis=1, keepdims=True)
        lse = m + jnp.log(jnp.sum(jnp.exp(logits - m), axis=1, keepdims=True))
        out_ref[...] = logits - lse


def _fin(acc, z, dis, b1r, wfc, bfcr):
    return pl.pallas_call(
        _fin_body,
        grid=(N_NODES // _ROWS_BLK,),
        in_specs=[
            pl.BlockSpec((NC, _ROWS_BLK, HALF), lambda i: (0, i, 0)),
            pl.BlockSpec((NC, _ROWS_BLK, HALF), lambda i: (0, i, 0)),
            pl.BlockSpec((_ROWS_BLK, 1), lambda i: (i, 0)),
            pl.BlockSpec((NC, HALF), lambda i: (0, 0)),
            pl.BlockSpec((D_FEAT, N_CLASSES), lambda i: (0, 0)),
            pl.BlockSpec((1, N_CLASSES), lambda i: (0, 0)),
        ],
        out_specs=pl.BlockSpec((1, N_CLASSES), lambda i: (0, 0)),
        out_shape=jax.ShapeDtypeStruct((1, N_CLASSES), jnp.float32),
        scratch_shapes=[pltpu.VMEM((NC, HALF), jnp.float32)],
    )(acc, z, dis, b1r, wfc, bfcr)


def kernel(x, edge_index, W1, b1, W_fc, b_fc):
    src = edge_index[0]
    dst = edge_index[1]
    pad = E_PAD - N_EDGES
    srcp = jnp.concatenate([src, jnp.zeros((pad,), jnp.int32)])
    dstp = jnp.concatenate([dst, jnp.full((pad,), N_NODES, jnp.int32)])
    iota5 = jnp.arange(DEG_ROWS, dtype=jnp.int32).reshape(5, CHUNK)

    degp = _deg_kernel(dstp, iota5)
    degt = degp.reshape(NC, DEG_ROWS * L)[:, :N_NODES].T
    z, dis = _mm(x, W1, degt)
    srcp2 = jnp.stack([srcp, srcp + N_NODES]).reshape(NC, IDX_ROWS, CHUNK)
    acc = _agg_kernel(z.reshape(NC * N_NODES, HALF), srcp2,
                      dstp.reshape(IDX_ROWS, CHUNK))
    return _fin(acc, z, dis, b1.reshape(NC, HALF), W_fc,
                b_fc.reshape(1, N_CLASSES))

# --- scband reference (transcript-rebuilt; emitter-appended) ---
"""Pipeline reference for scband-crystal-gnn-48112223650287 (READ-ONLY COPY).

The authoritative reference and input builder live on the scoring server;
editing this copy changes nothing except your own understanding.
"""

import jax, jax.numpy as jnp
import numpy as np

N_NODES = 10000
N_EDGES = 160000
D_FEAT = 256
HIDDEN = 256
N_CLASSES = 2


def setup_inputs(seed: int = 0) -> dict:
    key = jax.random.key(seed)
    k1, k2, k3, k4, k5 = jax.random.split(key, 5)
    x = jax.random.normal(k1, (N_NODES, D_FEAT), dtype=jnp.float32)
    edge_index = jax.random.randint(k2, (2, N_EDGES), 0, N_NODES, dtype=jnp.int32)
    # GCNConv params (glorot-ish init)
    W1 = jax.random.normal(k3, (D_FEAT, HIDDEN), dtype=jnp.float32) * (1.0 / np.sqrt(D_FEAT))
    b1 = jnp.zeros((HIDDEN,), dtype=jnp.float32)
    # final linear layer params
    W_fc = jax.random.normal(k4, (HIDDEN, N_CLASSES), dtype=jnp.float32) * (1.0 / np.sqrt(HIDDEN))
    b_fc = jnp.zeros((N_CLASSES,), dtype=jnp.float32)
    return {"x": x, "edge_index": edge_index, "W1": W1, "b1": b1, "W_fc": W_fc, "b_fc": b_fc}


def _gcn_conv(x, edge_index, W, b, n_nodes):
    # PyG GCNConv: add self-loops, symmetric normalization D^-1/2 (A+I) D^-1/2 X W + b
    src = edge_index[0]
    dst = edge_index[1]
    loop = jnp.arange(n_nodes, dtype=src.dtype)
    src = jnp.concatenate([src, loop])
    dst = jnp.concatenate([dst, loop])
    deg = jnp.zeros((n_nodes,), dtype=x.dtype).at[dst].add(1.0)
    deg_inv_sqrt = jnp.where(deg > 0, 1.0 / jnp.sqrt(deg), 0.0)
    norm = deg_inv_sqrt[src] * deg_inv_sqrt[dst]
    xw = x @ W
    msg = xw[src] * norm[:, None]
    out = jnp.zeros((n_nodes, W.shape[1]), dtype=x.dtype).at[dst].add(msg)
    return out + b


def reference(x, edge_index, W1, b1, W_fc, b_fc):
    n_nodes = x.shape[0]
    h = _gcn_conv(x, edge_index, W1, b1, n_nodes)
    h = jax.nn.relu(h)
    # dropout is identity in eval mode
    h = jnp.mean(h, axis=0)[None, :]
    logits = h @ W_fc + b_fc
    return jax.nn.log_softmax(logits, axis=1)

if __name__ == "__main__":
    import jax
    _d = setup_inputs()
    print(jax.jit(kernel)(*tuple(_d.values())))

</pallas_src>

<mosaic_0001>
#map = affine_map<(d0, d1) -> (0)>
#map1 = affine_map<(d0, d1) -> (0, 0)>
#map2 = affine_map<(d0, d1) -> (0, 0, 0)>
module attributes {stable_mosaic.version = 14 : i64} {
  func.func @_deg_kernel(%arg0: i32, %arg1: i32, %arg2: memref<163840xi32, #tpu.memory_space<hbm>>, %arg3: memref<5x128xi32, #tpu.memory_space<hbm>>, %arg4: memref<2x640x16xf32, #tpu.memory_space<hbm>>, %arg5: memref<5120xi32, #tpu.memory_space<vmem>>, %arg6: memref<640x16xf32, #tpu.memory_space<vmem>>, %arg7: memref<5x128xi32, #tpu.memory_space<vmem>>, %arg8: memref<40x16xf32, #tpu.memory_space<vmem>>, %arg9: memref<640x16xf32, #tpu.memory_space<vmem_shared>>) attributes {dimension_semantics = [#tpu.dimension_semantics<core_parallel>, #tpu.dimension_semantics<subcore_parallel>], iteration_bounds = array<i64: 2, 16>, scalar_prefetch = 0 : i64, scratch_operands = 5 : i64, tpu.core_type = #tpu.core_type<sc_vector_subcore>, window_params = [{transform_indices = #map}, {transform_indices = #map1}, {transform_indices = #map2}]} {
    %mul3A = arith.constant 16 : i32
    %mul3A_0 = arith.muli %arg0, %mul3A : i32
    %add3A = arith.addi %mul3A_0, %arg1 : i32
    %broadcast_in_dim3A = arith.constant 0.000000e+00 : f32
    %broadcast_in_dim3A_1 = vector.broadcast %broadcast_in_dim3A : f32 to vector<16xf32>
    %scan3A = arith.constant 0 : i32
    %scan3A_2 = arith.constant 640 : i32
    %scan3A_3 = arith.addi %scan3A, %scan3A_2 : i32
    %scan3A_4 = arith.constant 1 : i32
    scf.for %scan3A_31 = %scan3A to %scan3A_3 step %scan3A_4  : i32 {
      %mul3A_32 = arith.constant 1 : i32
      %mul3A_33 = arith.muli %scan3A_31, %mul3A_32 : i32
      %add3A_34 = arith.constant 0 : i32
      %add3A_35 = arith.addi %add3A_34, %mul3A_33 : i32
      %swap3A = arith.index_cast %add3A_35 : i32 to index
      %swap3A_36 = arith.constant 0 : index
      %swap3A_37 = tpu.vector_load %arg6[%swap3A, %swap3A_36] {strides = array<i32>} : memref<640x16xf32, #tpu.memory_space<vmem>>, vector<16xf32>,
      tpu.vector_store %arg6[%swap3A, %swap3A_36], %broadcast_in_dim3A_1 {strides = array<i32>} : memref<640x16xf32, #tpu.memory_space<vmem>>, vector<16xf32>,
    }
    %scan3A_5 = arith.constant 640 : i32
    %scan3A_6 = arith.constant 0 : i32
    %scan3A_7 = arith.constant 40 : i32
    %scan3A_8 = arith.addi %scan3A_6, %scan3A_7 : i32
    %scan3A_9 = arith.constant 1 : i32
    scf.for %scan3A_31 = %scan3A_6 to %scan3A_8 step %scan3A_9  : i32 {
      %mul3A_32 = arith.constant 1 : i32
      %mul3A_33 = arith.muli %scan3A_31, %mul3A_32 : i32
      %add3A_34 = arith.constant 0 : i32
      %add3A_35 = arith.addi %add3A_34, %mul3A_33 : i32
      %swap3A = arith.index_cast %add3A_35 : i32 to index
      %swap3A_36 = arith.constant 0 : index
      %swap3A_37 = tpu.vector_load %arg8[%swap3A, %swap3A_36] {strides = array<i32>} : memref<40x16xf32, #tpu.memory_space<vmem>>, vector<16xf32>,
      tpu.vector_store %arg8[%swap3A, %swap3A_36], %broadcast_in_dim3A_1 {strides = array<i32>} : memref<40x16xf32, #tpu.memory_space<vmem>>, vector<16xf32>,
    }
    %scan3A_10 = arith.constant 40 : i32
    %mul3A_11 = arith.constant 40 : i32
    %mul3A_12 = arith.muli %arg1, %mul3A_11 : i32
    "tpu.region"() ({
      %run_scoped3A_31 = tpu.sem_alloc : memref<!tpu.dma_semaphore, #tpu.memory_space<semaphore_mem>>
      %dma_start3A = arith.constant 0 : i32
      %dma_start3A_32 = tpu.memref_slice %arg9[%mul3A_12, %dma_start3A] : memref<640x16xf32, #tpu.memory_space<vmem_shared>> -> memref<40x16xf32, #tpu.memory_space<vmem_shared>>
      %dma_start3A_33 = arith.constant 0 : i32
      %dma_start3A_34 = tpu.memref_slice %arg9[%mul3A_12, %dma_start3A_33] : memref<640x16xf32, #tpu.memory_space<vmem_shared>> -> memref<40x16xf32, #tpu.memory_space<vmem_shared>>
      tpu.enqueue_dma source(%arg8 : memref<40x16xf32, #tpu.memory_space<vmem>>) target(%dma_start3A_34 : memref<40x16xf32, #tpu.memory_space<vmem_shared>>) target_semaphore(%run_scoped3A_31 : memref<!tpu.dma_semaphore, #tpu.memory_space<semaphore_mem>>)
      %dma_wait3A = arith.constant 0 : i32
      %dma_wait3A_35 = tpu.memref_slice %arg9[%mul3A_12, %dma_wait3A] : memref<640x16xf32, #tpu.memory_space<vmem_shared>> -> memref<40x16xf32, #tpu.memory_space<vmem_shared>>
      %dma_wait3A_36 = arith.constant 0 : i32
      %dma_wait3A_37 = tpu.memref_slice %arg9[%mul3A_12, %dma_wait3A_36] : memref<640x16xf32, #tpu.memory_space<vmem_shared>> -> memref<40x16xf32, #tpu.memory_space<vmem_shared>>
      tpu.wait_dma2 semaphore(%run_scoped3A_31 : memref<!tpu.dma_semaphore, #tpu.memory_space<semaphore_mem>>) src(%arg8 : memref<40x16xf32, #tpu.memory_space<vmem>>) dst(%dma_wait3A_37 : memref<40x16xf32, #tpu.memory_space<vmem_shared>>)
      tpu.yield
    }) : () -> ()
    "tpu.region"() ({
      %run_scoped3A_31 = tpu.sem_alloc : memref<!tpu.dma_semaphore, #tpu.memory_space<semaphore_mem>>
      tpu.enqueue_dma source(%arg3 : memref<5x128xi32, #tpu.memory_space<hbm>>) target(%arg7 : memref<5x128xi32, #tpu.memory_space<vmem>>) target_semaphore(%run_scoped3A_31 : memref<!tpu.dma_semaphore, #tpu.memory_space<semaphore_mem>>)
      tpu.wait_dma2 semaphore(%run_scoped3A_31 : memref<!tpu.dma_semaphore, #tpu.memory_space<semaphore_mem>>) src(%arg3 : memref<5x128xi32, #tpu.memory_space<hbm>>) dst(%arg7 : memref<5x128xi32, #tpu.memory_space<vmem>>)
      tpu.yield
    }) : () -> ()
    %mul3A_13 = arith.constant 5120 : i32
    %mul3A_14 = arith.muli %add3A, %mul3A_13 : i32
    "tpu.region"() ({
      %run_scoped3A_31 = tpu.sem_alloc : memref<!tpu.dma_semaphore, #tpu.memory_space<semaphore_mem>>
      %dma_start3A = tpu.memref_slice %arg2[%mul3A_14] : memref<163840xi32, #tpu.memory_space<hbm>> -> memref<5120xi32, #tpu.memory_space<hbm>>
      %dma_start3A_32 = tpu.memref_slice %arg2[%mul3A_14] : memref<163840xi32, #tpu.memory_space<hbm>> -> memref<5120xi32, #tpu.memory_space<hbm>>
      tpu.enqueue_dma source(%dma_start3A_32 : memref<5120xi32, #tpu.memory_space<hbm>>) target(%arg5 : memref<5120xi32, #tpu.memory_space<vmem>>) target_semaphore(%run_scoped3A_31 : memref<!tpu.dma_semaphore, #tpu.memory_space<semaphore_mem>>)
      %dma_wait3A = tpu.memref_slice %arg2[%mul3A_14] : memref<163840xi32, #tpu.memory_space<hbm>> -> memref<5120xi32, #tpu.memory_space<hbm>>
      %dma_wait3A_33 = tpu.memref_slice %arg2[%mul3A_14] : memref<163840xi32, #tpu.memory_space<hbm>> -> memref<5120xi32, #tpu.memory_space<hbm>>
      tpu.wait_dma2 semaphore(%run_scoped3A_31 : memref<!tpu.dma_semaphore, #tpu.memory_space<semaphore_mem>>) src(%dma_wait3A_33 : memref<5120xi32, #tpu.memory_space<hbm>>) dst(%arg5 : memref<5120xi32, #tpu.memory_space<vmem>>)
      tpu.yield
    }) : () -> ()
    %barrier3A = arith.constant 0 : index
    tpu.barrier barrier_id(%barrier3A)
    %broadcast_in_dim3A_15 = arith.constant 1.000000e+00 : f32
    %broadcast_in_dim3A_16 = vector.broadcast %broadcast_in_dim3A_15 : f32 to vector<16xf32>
    %scan3A_17 = arith.constant 0 : i32
    %scan3A_18 = arith.constant 320 : i32
    %scan3A_19 = arith.addi %scan3A_17, %scan3A_18 : i32
    %scan3A_20 = arith.constant 1 : i32
    scf.for %scan3A_31 = %scan3A_17 to %scan3A_19 step %scan3A_20  : i32 {
      %mul3A_32 = arith.constant 1 : i32
      %mul3A_33 = arith.muli %scan3A_31, %mul3A_32 : i32
      %add3A_34 = arith.constant 0 : i32
      %add3A_35 = arith.addi %add3A_34, %mul3A_33 : i32
      %mul3A_36 = arith.constant 16 : i32
      %mul3A_37 = arith.muli %add3A_35, %mul3A_36 : i32
      %get3A = arith.index_cast %mul3A_37 : i32 to index
      %get3A_38 = tpu.vector_load %arg5[%get3A] {strides = array<i32>} : memref<5120xi32, #tpu.memory_space<vmem>>, vector<16xi32>,
      %shift_right_logical3A = arith.constant 4 : i32
      %shift_right_logical3A_39 = vector.broadcast %shift_right_logical3A : i32 to vector<16xi32>
      %shift_right_logical3A_40 = arith.shrui %get3A_38, %shift_right_logical3A_39 : vector<16xi32>
      %and3A = arith.constant 15 : i32
      %and3A_41 = vector.broadcast %and3A : i32 to vector<16xi32>
      %and3A_42 = arith.andi %get3A_38, %and3A_41 : vector<16xi32>
      tpu.vector_store_idx %arg6[%shift_right_logical3A_40, %and3A_42], %broadcast_in_dim3A_16 {add = true} : memref<640x16xf32, #tpu.memory_space<vmem>>[vector<16xi32>, vector<16xi32>], vector<16xf32>,
    }
    %scan3A_21 = arith.constant 320 : i32
    %run_scoped3A = arith.constant 0 : i32
    "tpu.region"() ({
      %run_scoped3A_31 = tpu.sem_alloc : memref<!tpu.dma_semaphore, #tpu.memory_space<semaphore_mem>>
      %dma_start3A = arith.constant 0 : i32
      %dma_start3A_32 = arith.constant 0 : i32
      %dma_start3A_33 = tpu.memref_slice %arg6[%dma_start3A, %dma_start3A_32] : memref<640x16xf32, #tpu.memory_space<vmem>> -> memref<128x16xf32, #tpu.memory_space<vmem>>
      %dma_start3A_34 = arith.constant 0 : i32
      %dma_start3A_35 = tpu.memref_slice %arg7[%run_scoped3A, %dma_start3A_34] : memref<5x128xi32, #tpu.memory_space<vmem>> -> memref<1x128xi32, #tpu.memory_space<vmem>>
      %dma_start3A_36 = tpu.memref_squeeze %dma_start3A_35 : memref<1x128xi32, #tpu.memory_space<vmem>> -> memref<128xi32, #tpu.memory_space<vmem>>
      %dma_start3A_37 = arith.constant 0 : i32
      %dma_start3A_38 = arith.constant 0 : i32
      %dma_start3A_39 = tpu.memref_slice %arg9[%dma_start3A_37, %dma_start3A_38] : memref<640x16xf32, #tpu.memory_space<vmem_shared>> -> memref<640x16xf32, #tpu.memory_space<vmem_shared>>
      tpu.enqueue_indirect_dma source(%dma_start3A_33 : memref<128x16xf32, #tpu.memory_space<vmem>>) target(%dma_start3A_39 : memref<640x16xf32, #tpu.memory_space<vmem_shared>>) offsets(%dma_start3A_36 : memref<128xi32, #tpu.memory_space<vmem>>) semaphore(%run_scoped3A_31 : memref<!tpu.dma_semaphore, #tpu.memory_space<semaphore_mem>>) {add = true}
      %dma_wait3A = arith.constant 0 : i32
      %dma_wait3A_40 = arith.constant 0 : i32
      %dma_wait3A_41 = tpu.memref_slice %arg6[%dma_wait3A, %dma_wait3A_40] : memref<640x16xf32, #tpu.memory_space<vmem>> -> memref<128x16xf32, #tpu.memory_space<vmem>>
      %dma_wait3A_42 = arith.constant 0 : i32
      %dma_wait3A_43 = tpu.memref_slice %arg7[%run_scoped3A, %dma_wait3A_42] : memref<5x128xi32, #tpu.memory_space<vmem>> -> memref<1x128xi32, #tpu.memory_space<vmem>>
      %dma_wait3A_44 = tpu.memref_squeeze %dma_wait3A_43 : memref<1x128xi32, #tpu.memory_space<vmem>> -> memref<128xi32, #tpu.memory_space<vmem>>
      %dma_wait3A_45 = arith.constant 0 : i32
      %dma_wait3A_46 = arith.constant 0 : i32
      %dma_wait3A_47 = tpu.memref_slice %arg9[%dma_wait3A_45, %dma_wait3A_46] : memref<640x16xf32, #tpu.memory_space<vmem_shared>> -> memref<640x16xf32, #tpu.memory_space<vmem_shared>>
      tpu.wait_indirect_dma semaphore(%run_scoped3A_31 : memref<!tpu.dma_semaphore, #tpu.memory_space<semaphore_mem>>) src(%dma_wait3A_41 : memref<128x16xf32, #tpu.memory_space<vmem>>) dst(%dma_wait3A_47 : memref<640x16xf32, #tpu.memory_space<vmem_shared>>)
      tpu.yield
    }) : () -> ()
    %run_scoped3A_22 = arith.constant 1 : i32
    "tpu.region"() ({
      %run_scoped3A_31 = tpu.sem_alloc : memref<!tpu.dma_semaphore, #tpu.memory_space<semaphore_mem>>
      %dma_start3A = arith.constant 128 : i32
      %dma_start3A_32 = arith.constant 0 : i32
      %dma_start3A_33 = tpu.memref_slice %arg6[%dma_start3A, %dma_start3A_32] : memref<640x16xf32, #tpu.memory_space<vmem>> -> memref<128x16xf32, #tpu.memory_space<vmem>>
      %dma_start3A_34 = arith.constant 0 : i32
      %dma_start3A_35 = tpu.memref_slice %arg7[%run_scoped3A_22, %dma_start3A_34] : memref<5x128xi32, #tpu.memory_space<vmem>> -> memref<1x128xi32, #tpu.memory_space<vmem>>
      %dma_start3A_36 = tpu.memref_squeeze %dma_start3A_35 : memref<1x128xi32, #tpu.memory_space<vmem>> -> memref<128xi32, #tpu.memory_space<vmem>>
      %dma_start3A_37 = arith.constant 0 : i32
      %dma_start3A_38 = arith.constant 0 : i32
      %dma_start3A_39 = tpu.memref_slice %arg9[%dma_start3A_37, %dma_start3A_38] : memref<640x16xf32, #tpu.memory_space<vmem_shared>> -> memref<640x16xf32, #tpu.memory_space<vmem_shared>>
      tpu.enqueue_indirect_dma source(%dma_start3A_33 : memref<128x16xf32, #tpu.memory_space<vmem>>) target(%dma_start3A_39 : memref<640x16xf32, #tpu.memory_space<vmem_shared>>) offsets(%dma_start3A_36 : memref<128xi32, #tpu.memory_space<vmem>>) semaphore(%run_scoped3A_31 : memref<!tpu.dma_semaphore, #tpu.memory_space<semaphore_mem>>) {add = true}
      %dma_wait3A = arith.constant 128 : i32
      %dma_wait3A_40 = arith.constant 0 : i32
      %dma_wait3A_41 = tpu.memref_slice %arg6[%dma_wait3A, %dma_wait3A_40] : memref<640x16xf32, #tpu.memory_space<vmem>> -> memref<128x16xf32, #tpu.memory_space<vmem>>
      %dma_wait3A_42 = arith.constant 0 : i32
      %dma_wait3A_43 = tpu.memref_slice %arg7[%run_scoped3A_22, %dma_wait3A_42] : memref<5x128xi32, #tpu.memory_space<vmem>> -> memref<1x128xi32, #tpu.memory_space<vmem>>
      %dma_wait3A_44 = tpu.memref_squeeze %dma_wait3A_43 : memref<1x128xi32, #tpu.memory_space<vmem>> -> memref<128xi32, #tpu.memory_space<vmem>>
      %dma_wait3A_45 = arith.constant 0 : i32
      %dma_wait3A_46 = arith.constant 0 : i32
      %dma_wait3A_47 = tpu.memref_slice %arg9[%dma_wait3A_45, %dma_wait3A_46] : memref<640x16xf32, #tpu.memory_space<vmem_shared>> -> memref<640x16xf32, #tpu.memory_space<vmem_shared>>
      tpu.wait_indirect_dma semaphore(%run_scoped3A_31 : memref<!tpu.dma_semaphore, #tpu.memory_space<semaphore_mem>>) src(%dma_wait3A_41 : memref<128x16xf32, #tpu.memory_space<vmem>>) dst(%dma_wait3A_47 : memref<640x16xf32, #tpu.memory_space<vmem_shared>>)
      tpu.yield
    }) : () -> ()
    %run_scoped3A_23 = arith.constant 2 : i32
    "tpu.region"() ({
      %run_scoped3A_31 = tpu.sem_alloc : memref<!tpu.dma_semaphore, #tpu.memory_space<semaphore_mem>>
      %dma_start3A = arith.constant 256 : i32
      %dma_start3A_32 = arith.constant 0 : i32
      %dma_start3A_33 = tpu.memref_slice %arg6[%dma_start3A, %dma_start3A_32] : memref<640x16xf32, #tpu.memory_space<vmem>> -> memref<128x16xf32, #tpu.memory_space<vmem>>
      %dma_start3A_34 = arith.constant 0 : i32
      %dma_start3A_35 = tpu.memref_slice %arg7[%run_scoped3A_23, %dma_start3A_34] : memref<5x128xi32, #tpu.memory_space<vmem>> -> memref<1x128xi32, #tpu.memory_space<vmem>>
      %dma_start3A_36 = tpu.memref_squeeze %dma_start3A_35 : memref<1x128xi32, #tpu.memory_space<vmem>> -> memref<128xi32, #tpu.memory_space<vmem>>
      %dma_start3A_37 = arith.constant 0 : i32
      %dma_start3A_38 = arith.constant 0 : i32
      %dma_start3A_39 = tpu.memref_slice %arg9[%dma_start3A_37, %dma_start3A_38] : memref<640x16xf32, #tpu.memory_space<vmem_shared>> -> memref<640x16xf32, #tpu.memory_space<vmem_shared>>
      tpu.enqueue_indirect_dma source(%dma_start3A_33 : memref<128x16xf32, #tpu.memory_space<vmem>>) target(%dma_start3A_39 : memref<640x16xf32, #tpu.memory_space<vmem_shared>>) offsets(%dma_start3A_36 : memref<128xi32, #tpu.memory_space<vmem>>) semaphore(%run_scoped3A_31 : memref<!tpu.dma_semaphore, #tpu.memory_space<semaphore_mem>>) {add = true}
      %dma_wait3A = arith.constant 256 : i32
      %dma_wait3A_40 = arith.constant 0 : i32
      %dma_wait3A_41 = tpu.memref_slice %arg6[%dma_wait3A, %dma_wait3A_40] : memref<640x16xf32, #tpu.memory_space<vmem>> -> memref<128x16xf32, #tpu.memory_space<vmem>>
      %dma_wait3A_42 = arith.constant 0 : i32
      %dma_wait3A_43 = tpu.memref_slice %arg7[%run_scoped3A_23, %dma_wait3A_42] : memref<5x128xi32, #tpu.memory_space<vmem>> -> memref<1x128xi32, #tpu.memory_space<vmem>>
      %dma_wait3A_44 = tpu.memref_squeeze %dma_wait3A_43 : memref<1x128xi32, #tpu.memory_space<vmem>> -> memref<128xi32, #tpu.memory_space<vmem>>
      %dma_wait3A_45 = arith.constant 0 : i32
      %dma_wait3A_46 = arith.constant 0 : i32
      %dma_wait3A_47 = tpu.memref_slice %arg9[%dma_wait3A_45, %dma_wait3A_46] : memref<640x16xf32, #tpu.memory_space<vmem_shared>> -> memref<640x16xf32, #tpu.memory_space<vmem_shared>>
      tpu.wait_indirect_dma semaphore(%run_scoped3A_31 : memref<!tpu.dma_semaphore, #tpu.memory_space<semaphore_mem>>) src(%dma_wait3A_41 : memref<128x16xf32, #tpu.memory_space<vmem>>) dst(%dma_wait3A_47 : memref<640x16xf32, #tpu.memory_space<vmem_shared>>)
      tpu.yield
    }) : () -> ()
    %run_scoped3A_24 = arith.constant 3 : i32
    "tpu.region"() ({
      %run_scoped3A_31 = tpu.sem_alloc : memref<!tpu.dma_semaphore, #tpu.memory_space<semaphore_mem>>
      %dma_start3A = arith.constant 384 : i32
      %dma_start3A_32 = arith.constant 0 : i32
      %dma_start3A_33 = tpu.memref_slice %arg6[%dma_start3A, %dma_start3A_32] : memref<640x16xf32, #tpu.memory_space<vmem>> -> memref<128x16xf32, #tpu.memory_space<vmem>>
      %dma_start3A_34 = arith.constant 0 : i32
      %dma_start3A_35 = tpu.memref_slice %arg7[%run_scoped3A_24, %dma_start3A_34] : memref<5x128xi32, #tpu.memory_space<vmem>> -> memref<1x128xi32, #tpu.memory_space<vmem>>
      %dma_start3A_36 = tpu.memref_squeeze %dma_start3A_35 : memref<1x128xi32, #tpu.memory_space<vmem>> -> memref<128xi32, #tpu.memory_space<vmem>>
      %dma_start3A_37 = arith.constant 0 : i32
      %dma_start3A_38 = arith.constant 0 : i32
      %dma_start3A_39 = tpu.memref_slice %arg9[%dma_start3A_37, %dma_start3A_38] : memref<640x16xf32, #tpu.memory_space<vmem_shared>> -> memref<640x16xf32, #tpu.memory_space<vmem_shared>>
      tpu.enqueue_indirect_dma source(%dma_start3A_33 : memref<128x16xf32, #tpu.memory_space<vmem>>) target(%dma_start3A_39 : memref<640x16xf32, #tpu.memory_space<vmem_shared>>) offsets(%dma_start3A_36 : memref<128xi32, #tpu.memory_space<vmem>>) semaphore(%run_scoped3A_31 : memref<!tpu.dma_semaphore, #tpu.memory_space<semaphore_mem>>) {add = true}
      %dma_wait3A = arith.constant 384 : i32
      %dma_wait3A_40 = arith.constant 0 : i32
      %dma_wait3A_41 = tpu.memref_slice %arg6[%dma_wait3A, %dma_wait3A_40] : memref<640x16xf32, #tpu.memory_space<vmem>> -> memref<128x16xf32, #tpu.memory_space<vmem>>
      %dma_wait3A_42 = arith.constant 0 : i32
      %dma_wait3A_43 = tpu.memref_slice %arg7[%run_scoped3A_24, %dma_wait3A_42] : memref<5x128xi32, #tpu.memory_space<vmem>> -> memref<1x128xi32, #tpu.memory_space<vmem>>
      %dma_wait3A_44 = tpu.memref_squeeze %dma_wait3A_43 : memref<1x128xi32, #tpu.memory_space<vmem>> -> memref<128xi32, #tpu.memory_space<vmem>>
      %dma_wait3A_45 = arith.constant 0 : i32
      %dma_wait3A_46 = arith.constant 0 : i32
      %dma_wait3A_47 = tpu.memref_slice %arg9[%dma_wait3A_45, %dma_wait3A_46] : memref<640x16xf32, #tpu.memory_space<vmem_shared>> -> memref<640x16xf32, #tpu.memory_space<vmem_shared>>
      tpu.wait_indirect_dma semaphore(%run_scoped3A_31 : memref<!tpu.dma_semaphore, #tpu.memory_space<semaphore_mem>>) src(%dma_wait3A_41 : memref<128x16xf32, #tpu.memory_space<vmem>>) dst(%dma_wait3A_47 : memref<640x16xf32, #tpu.memory_space<vmem_shared>>)
      tpu.yield
    }) : () -> ()
    %run_scoped3A_25 = arith.constant 4 : i32
    "tpu.region"() ({
      %run_scoped3A_31 = tpu.sem_alloc : memref<!tpu.dma_semaphore, #tpu.memory_space<semaphore_mem>>
      %dma_start3A = arith.constant 512 : i32
      %dma_start3A_32 = arith.constant 0 : i32
      %dma_start3A_33 = tpu.memref_slice %arg6[%dma_start3A, %dma_start3A_32] : memref<640x16xf32, #tpu.memory_space<vmem>> -> memref<128x16xf32, #tpu.memory_space<vmem>>
      %dma_start3A_34 = arith.constant 0 : i32
      %dma_start3A_35 = tpu.memref_slice %arg7[%run_scoped3A_25, %dma_start3A_34] : memref<5x128xi32, #tpu.memory_space<vmem>> -> memref<1x128xi32, #tpu.memory_space<vmem>>
      %dma_start3A_36 = tpu.memref_squeeze %dma_start3A_35 : memref<1x128xi32, #tpu.memory_space<vmem>> -> memref<128xi32, #tpu.memory_space<vmem>>
      %dma_start3A_37 = arith.constant 0 : i32
      %dma_start3A_38 = arith.constant 0 : i32
      %dma_start3A_39 = tpu.memref_slice %arg9[%dma_start3A_37, %dma_start3A_38] : memref<640x16xf32, #tpu.memory_space<vmem_shared>> -> memref<640x16xf32, #tpu.memory_space<vmem_shared>>
      tpu.enqueue_indirect_dma source(%dma_start3A_33 : memref<128x16xf32, #tpu.memory_space<vmem>>) target(%dma_start3A_39 : memref<640x16xf32, #tpu.memory_space<vmem_shared>>) offsets(%dma_start3A_36 : memref<128xi32, #tpu.memory_space<vmem>>) semaphore(%run_scoped3A_31 : memref<!tpu.dma_semaphore, #tpu.memory_space<semaphore_mem>>) {add = true}
      %dma_wait3A = arith.constant 512 : i32
      %dma_wait3A_40 = arith.constant 0 : i32
      %dma_wait3A_41 = tpu.memref_slice %arg6[%dma_wait3A, %dma_wait3A_40] : memref<640x16xf32, #tpu.memory_space<vmem>> -> memref<128x16xf32, #tpu.memory_space<vmem>>
      %dma_wait3A_42 = arith.constant 0 : i32
      %dma_wait3A_43 = tpu.memref_slice %arg7[%run_scoped3A_25, %dma_wait3A_42] : memref<5x128xi32, #tpu.memory_space<vmem>> -> memref<1x128xi32, #tpu.memory_space<vmem>>
      %dma_wait3A_44 = tpu.memref_squeeze %dma_wait3A_43 : memref<1x128xi32, #tpu.memory_space<vmem>> -> memref<128xi32, #tpu.memory_space<vmem>>
      %dma_wait3A_45 = arith.constant 0 : i32
      %dma_wait3A_46 = arith.constant 0 : i32
      %dma_wait3A_47 = tpu.memref_slice %arg9[%dma_wait3A_45, %dma_wait3A_46] : memref<640x16xf32, #tpu.memory_space<vmem_shared>> -> memref<640x16xf32, #tpu.memory_space<vmem_shared>>
      tpu.wait_indirect_dma semaphore(%run_scoped3A_31 : memref<!tpu.dma_semaphore, #tpu.memory_space<semaphore_mem>>) src(%dma_wait3A_41 : memref<128x16xf32, #tpu.memory_space<vmem>>) dst(%dma_wait3A_47 : memref<640x16xf32, #tpu.memory_space<vmem_shared>>)
      tpu.yield
    }) : () -> ()
    %barrier3A_26 = arith.constant 0 : index
    tpu.barrier barrier_id(%barrier3A_26)
    %mul3A_27 = arith.constant 40 : i32
    %mul3A_28 = arith.muli %arg1, %mul3A_27 : i32
    %mul3A_29 = arith.constant 40 : i32
    %mul3A_30 = arith.muli %arg1, %mul3A_29 : i32
    "tpu.region"() ({
      %run_scoped3A_31 = tpu.sem_alloc : memref<!tpu.dma_semaphore, #tpu.memory_space<semaphore_mem>>
      %dma_start3A = arith.constant 0 : i32
      %dma_start3A_32 = tpu.memref_slice %arg4[%arg0, %mul3A_30, %dma_start3A] : memref<2x640x16xf32, #tpu.memory_space<hbm>> -> memref<1x40x16xf32, #tpu.memory_space<hbm>>
      %dma_start3A_33 = tpu.memref_squeeze %dma_start3A_32 : memref<1x40x16xf32, #tpu.memory_space<hbm>> -> memref<40x16xf32, #tpu.memory_space<hbm>>
      %dma_start3A_34 = arith.constant 0 : i32
      %dma_start3A_35 = tpu.memref_slice %arg9[%mul3A_28, %dma_start3A_34] : memref<640x16xf32, #tpu.memory_space<vmem_shared>> -> memref<40x16xf32, #tpu.memory_space<vmem_shared>>
      tpu.enqueue_dma source(%dma_start3A_35 : memref<40x16xf32, #tpu.memory_space<vmem_shared>>) target(%dma_start3A_33 : memref<40x16xf32, #tpu.memory_space<hbm>>) target_semaphore(%run_scoped3A_31 : memref<!tpu.dma_semaphore, #tpu.memory_space<semaphore_mem>>)
      %dma_wait3A = arith.constant 0 : i32
      %dma_wait3A_36 = tpu.memref_slice %arg4[%arg0, %mul3A_30, %dma_wait3A] : memref<2x640x16xf32, #tpu.memory_space<hbm>> -> memref<1x40x16xf32, #tpu.memory_space<hbm>>
      %dma_wait3A_37 = tpu.memref_squeeze %dma_wait3A_36 : memref<1x40x16xf32, #tpu.memory_space<hbm>> -> memref<40x16xf32, #tpu.memory_space<hbm>>
      %dma_wait3A_38 = arith.constant 0 : i32
      %dma_wait3A_39 = tpu.memref_slice %arg9[%mul3A_28, %dma_wait3A_38] : memref<640x16xf32, #tpu.memory_space<vmem_shared>> -> memref<40x16xf32, #tpu.memory_space<vmem_shared>>
      tpu.wait_dma2 semaphore(%run_scoped3A_31 : memref<!tpu.dma_semaphore, #tpu.memory_space<semaphore_mem>>) src(%dma_wait3A_39 : memref<40x16xf32, #tpu.memory_space<vmem_shared>>) dst(%dma_wait3A_37 : memref<40x16xf32, #tpu.memory_space<hbm>>)
      tpu.yield
    }) : () -> ()
    return
  }
}

#map = affine_map<(d0, d1) -> (0, 0)>
#map1 = affine_map<(d0, d1) -> (0, 0, 0)>
module attributes {stable_mosaic.version = 14 : i64} {
  func.func @_agg_kernel(%arg0: i32, %arg1: i32, %arg2: memref<20000x128xf32, #tpu.memory_space<hbm>>, %arg3: memref<2x1280x128xi32, #tpu.memory_space<hbm>>, %arg4: memref<1280x128xi32, #tpu.memory_space<hbm>>, %arg5: memref<2x10000x128xf32, #tpu.memory_space<hbm>>, %arg6: memref<40x128xi32, #tpu.memory_space<vmem>>, %arg7: memref<40x128xi32, #tpu.memory_space<vmem>>, %arg8: memref<128x128xf32, #tpu.memory_space<vmem>>, %arg9: memref<128x128xf32, #tpu.memory_space<vmem>>, %arg10: memref<10112x128xf32, #tpu.memory_space<vmem_shared>>, %arg11: memref<!tpu.dma_semaphore, #tpu.memory_space<semaphore_mem>>, %arg12: memref<!tpu.dma_semaphore, #tpu.memory_space<semaphore_mem>>) attributes {dimension_semantics = [#tpu.dimension_semantics<core_parallel>, #tpu.dimension_semantics<subcore_parallel>], iteration_bounds = array<i64: 2, 16>, scalar_prefetch = 0 : i64, scratch_operands = 7 : i64, tpu.core_type = #tpu.core_type<sc_vector_subcore>, window_params = [{transform_indices = #map}, {transform_indices = #map1}, {transform_indices = #map}, {transform_indices = #map1}]} {
    %broadcast_in_dim3A = arith.constant 0.000000e+00 : f32
    %broadcast_in_dim3A_0 = vector.broadcast %broadcast_in_dim3A : f32 to vector<16xf32>
    %scan3A = arith.constant 0 : i32
    %scan3A_1 = arith.constant 128 : i32
    %scan3A_2 = arith.addi %scan3A, %scan3A_1 : i32
    %scan3A_3 = arith.constant 1 : i32
    scf.for %scan3A_77 = %scan3A to %scan3A_2 step %scan3A_3  : i32 {
      %mul3A_78 = arith.constant 1 : i32
      %mul3A_79 = arith.muli %scan3A_77, %mul3A_78 : i32
      %add3A_80 = arith.constant 0 : i32
      %add3A_81 = arith.addi %add3A_80, %mul3A_79 : i32
      %swap3A = arith.index_cast %add3A_81 : i32 to index
      %swap3A_82 = arith.constant 0 : index
      %swap3A_83 = tpu.vector_load %arg8[%swap3A, %swap3A_82] {strides = array<i32>} : memref<128x128xf32, #tpu.memory_space<vmem>>, vector<16xf32>,
      tpu.vector_store %arg8[%swap3A, %swap3A_82], %broadcast_in_dim3A_0 {strides = array<i32>} : memref<128x128xf32, #tpu.memory_space<vmem>>, vector<16xf32>,
      %swap3A_84 = arith.index_cast %add3A_81 : i32 to index
      %swap3A_85 = arith.constant 16 : index
      %swap3A_86 = tpu.vector_load %arg8[%swap3A_84, %swap3A_85] {strides = array<i32>} : memref<128x128xf32, #tpu.memory_space<vmem>>, vector<16xf32>,
      tpu.vector_store %arg8[%swap3A_84, %swap3A_85], %broadcast_in_dim3A_0 {strides = array<i32>} : memref<128x128xf32, #tpu.memory_space<vmem>>, vector<16xf32>,
      %swap3A_87 = arith.index_cast %add3A_81 : i32 to index
      %swap3A_88 = arith.constant 32 : index
      %swap3A_89 = tpu.vector_load %arg8[%swap3A_87, %swap3A_88] {strides = array<i32>} : memref<128x128xf32, #tpu.memory_space<vmem>>, vector<16xf32>,
      tpu.vector_store %arg8[%swap3A_87, %swap3A_88], %broadcast_in_dim3A_0 {strides = array<i32>} : memref<128x128xf32, #tpu.memory_space<vmem>>, vector<16xf32>,
      %swap3A_90 = arith.index_cast %add3A_81 : i32 to index
      %swap3A_91 = arith.constant 48 : index
      %swap3A_92 = tpu.vector_load %arg8[%swap3A_90, %swap3A_91] {strides = array<i32>} : memref<128x128xf32, #tpu.memory_space<vmem>>, vector<16xf32>,
      tpu.vector_store %arg8[%swap3A_90, %swap3A_91], %broadcast_in_dim3A_0 {strides = array<i32>} : memref<128x128xf32, #tpu.memory_space<vmem>>, vector<16xf32>,
      %swap3A_93 = arith.index_cast %add3A_81 : i32 to index
      %swap3A_94 = arith.constant 64 : index
      %swap3A_95 = tpu.vector_load %arg8[%swap3A_93, %swap3A_94] {strides = array<i32>} : memref<128x128xf32, #tpu.memory_space<vmem>>, vector<16xf32>,
      tpu.vector_store %arg8[%swap3A_93, %swap3A_94], %broadcast_in_dim3A_0 {strides = array<i32>} : memref<128x128xf32, #tpu.memory_space<vmem>>, vector<16xf32>,
      %swap3A_96 = arith.index_cast %add3A_81 : i32 to index
      %swap3A_97 = arith.constant 80 : index
      %swap3A_98 = tpu.vector_load %arg8[%swap3A_96, %swap3A_97] {strides = array<i32>} : memref<128x128xf32, #tpu.memory_space<vmem>>, vector<16xf32>,
      tpu.vector_store %arg8[%swap3A_96, %swap3A_97], %broadcast_in_dim3A_0 {strides = array<i32>} : memref<128x128xf32, #tpu.memory_space<vmem>>, vector<16xf32>,
      %swap3A_99 = arith.index_cast %add3A_81 : i32 to index
      %swap3A_100 = arith.constant 96 : index
      %swap3A_101 = tpu.vector_load %arg8[%swap3A_99, %swap3A_100] {strides = array<i32>} : memref<128x128xf32, #tpu.memory_space<vmem>>, vector<16xf32>,
      tpu.vector_store %arg8[%swap3A_99, %swap3A_100], %broadcast_in_dim3A_0 {strides = array<i32>} : memref<128x128xf32, #tpu.memory_space<vmem>>, vector<16xf32>,
      %swap3A_102 = arith.index_cast %add3A_81 : i32 to index
      %swap3A_103 = arith.constant 112 : index
      %swap3A_104 = tpu.vector_load %arg8[%swap3A_102, %swap3A_103] {strides = array<i32>} : memref<128x128xf32, #tpu.memory_space<vmem>>, vector<16xf32>,
      tpu.vector_store %arg8[%swap3A_102, %swap3A_103], %broadcast_in_dim3A_0 {strides = array<i32>} : memref<128x128xf32, #tpu.memory_space<vmem>>, vector<16xf32>,
    }
    %scan3A_4 = arith.constant 128 : i32
    %mul3A = arith.constant 632 : i32
    %mul3A_5 = arith.muli %arg1, %mul3A : i32
    %add3A = arith.constant 0 : i32
    %add3A_6 = arith.addi %mul3A_5, %add3A : i32
    "tpu.region"() ({
      %run_scoped3A_77 = tpu.sem_alloc : memref<!tpu.dma_semaphore, #tpu.memory_space<semaphore_mem>>
      %dma_start3A_78 = arith.constant 0 : i32
      %dma_start3A_79 = arith.constant 0 : i32
      %dma_start3A_80 = tpu.memref_slice %arg8[%dma_start3A_78, %dma_start3A_79] : memref<128x128xf32, #tpu.memory_space<vmem>> -> memref<128x128xf32, #tpu.memory_space<vmem>>
      %dma_start3A_81 = arith.constant 0 : i32
      %dma_start3A_82 = tpu.memref_slice %arg10[%add3A_6, %dma_start3A_81] : memref<10112x128xf32, #tpu.memory_space<vmem_shared>> -> memref<128x128xf32, #tpu.memory_space<vmem_shared>>
      %dma_start3A_83 = arith.constant 0 : i32
      %dma_start3A_84 = tpu.memref_slice %arg10[%add3A_6, %dma_start3A_83] : memref<10112x128xf32, #tpu.memory_space<vmem_shared>> -> memref<128x128xf32, #tpu.memory_space<vmem_shared>>
      %dma_start3A_85 = arith.constant 0 : i32
      %dma_start3A_86 = arith.constant 0 : i32
      %dma_start3A_87 = tpu.memref_slice %arg8[%dma_start3A_85, %dma_start3A_86] : memref<128x128xf32, #tpu.memory_space<vmem>> -> memref<128x128xf32, #tpu.memory_space<vmem>>
      tpu.enqueue_dma source(%dma_start3A_87 : memref<128x128xf32, #tpu.memory_space<vmem>>) target(%dma_start3A_84 : memref<128x128xf32, #tpu.memory_space<vmem_shared>>) target_semaphore(%run_scoped3A_77 : memref<!tpu.dma_semaphore, #tpu.memory_space<semaphore_mem>>)
      %dma_wait3A_88 = arith.constant 0 : i32
      %dma_wait3A_89 = arith.constant 0 : i32
      %dma_wait3A_90 = tpu.memref_slice %arg8[%dma_wait3A_88, %dma_wait3A_89] : memref<128x128xf32, #tpu.memory_space<vmem>> -> memref<128x128xf32, #tpu.memory_space<vmem>>
      %dma_wait3A_91 = arith.constant 0 : i32
      %dma_wait3A_92 = tpu.memref_slice %arg10[%add3A_6, %dma_wait3A_91] : memref<10112x128xf32, #tpu.memory_space<vmem_shared>> -> memref<128x128xf32, #tpu.memory_space<vmem_shared>>
      %dma_wait3A_93 = arith.constant 0 : i32
      %dma_wait3A_94 = tpu.memref_slice %arg10[%add3A_6, %dma_wait3A_93] : memref<10112x128xf32, #tpu.memory_space<vmem_shared>> -> memref<128x128xf32, #tpu.memory_space<vmem_shared>>
      %dma_wait3A_95 = arith.constant 0 : i32
      %dma_wait3A_96 = arith.constant 0 : i32
      %dma_wait3A_97 = tpu.memref_slice %arg8[%dma_wait3A_95, %dma_wait3A_96] : memref<128x128xf32, #tpu.memory_space<vmem>> -> memref<128x128xf32, #tpu.memory_space<vmem>>
      tpu.wait_dma2 semaphore(%run_scoped3A_77 : memref<!tpu.dma_semaphore, #tpu.memory_space<semaphore_mem>>) src(%dma_wait3A_97 : memref<128x128xf32, #tpu.memory_space<vmem>>) dst(%dma_wait3A_94 : memref<128x128xf32, #tpu.memory_space<vmem_shared>>)
      tpu.yield
    }) : () -> ()
    %add3A_7 = arith.constant 128 : i32
    %add3A_8 = arith.addi %mul3A_5, %add3A_7 : i32
    "tpu.region"() ({
      %run_scoped3A_77 = tpu.sem_alloc : memref<!tpu.dma_semaphore, #tpu.memory_space<semaphore_mem>>
      %dma_start3A_78 = arith.constant 0 : i32
      %dma_start3A_79 = arith.constant 0 : i32
      %dma_start3A_80 = tpu.memref_slice %arg8[%dma_start3A_78, %dma_start3A_79] : memref<128x128xf32, #tpu.memory_space<vmem>> -> memref<128x128xf32, #tpu.memory_space<vmem>>
      %dma_start3A_81 = arith.constant 0 : i32
      %dma_start3A_82 = tpu.memref_slice %arg10[%add3A_8, %dma_start3A_81] : memref<10112x128xf32, #tpu.memory_space<vmem_shared>> -> memref<128x128xf32, #tpu.memory_space<vmem_shared>>
      %dma_start3A_83 = arith.constant 0 : i32
      %dma_start3A_84 = tpu.memref_slice %arg10[%add3A_8, %dma_start3A_83] : memref<10112x128xf32, #tpu.memory_space<vmem_shared>> -> memref<128x128xf32, #tpu.memory_space<vmem_shared>>
      %dma_start3A_85 = arith.constant 0 : i32
      %dma_start3A_86 = arith.constant 0 : i32
      %dma_start3A_87 = tpu.memref_slice %arg8[%dma_start3A_85, %dma_start3A_86] : memref<128x128xf32, #tpu.memory_space<vmem>> -> memref<128x128xf32, #tpu.memory_space<vmem>>
      tpu.enqueue_dma source(%dma_start3A_87 : memref<128x128xf32, #tpu.memory_space<vmem>>) target(%dma_start3A_84 : memref<128x128xf32, #tpu.memory_space<vmem_shared>>) target_semaphore(%run_scoped3A_77 : memref<!tpu.dma_semaphore, #tpu.memory_space<semaphore_mem>>)
      %dma_wait3A_88 = arith.constant 0 : i32
      %dma_wait3A_89 = arith.constant 0 : i32
      %dma_wait3A_90 = tpu.memref_slice %arg8[%dma_wait3A_88, %dma_wait3A_89] : memref<128x128xf32, #tpu.memory_space<vmem>> -> memref<128x128xf32, #tpu.memory_space<vmem>>
      %dma_wait3A_91 = arith.constant 0 : i32
      %dma_wait3A_92 = tpu.memref_slice %arg10[%add3A_8, %dma_wait3A_91] : memref<10112x128xf32, #tpu.memory_space<vmem_shared>> -> memref<128x128xf32, #tpu.memory_space<vmem_shared>>
      %dma_wait3A_93 = arith.constant 0 : i32
      %dma_wait3A_94 = tpu.memref_slice %arg10[%add3A_8, %dma_wait3A_93] : memref<10112x128xf32, #tpu.memory_space<vmem_shared>> -> memref<128x128xf32, #tpu.memory_space<vmem_shared>>
      %dma_wait3A_95 = arith.constant 0 : i32
      %dma_wait3A_96 = arith.constant 0 : i32
      %dma_wait3A_97 = tpu.memref_slice %arg8[%dma_wait3A_95, %dma_wait3A_96] : memref<128x128xf32, #tpu.memory_space<vmem>> -> memref<128x128xf32, #tpu.memory_space<vmem>>
      tpu.wait_dma2 semaphore(%run_scoped3A_77 : memref<!tpu.dma_semaphore, #tpu.memory_space<semaphore_mem>>) src(%dma_wait3A_97 : memref<128x128xf32, #tpu.memory_space<vmem>>) dst(%dma_wait3A_94 : memref<128x128xf32, #tpu.memory_space<vmem_shared>>)
      tpu.yield
    }) : () -> ()
    %add3A_9 = arith.constant 256 : i32
    %add3A_10 = arith.addi %mul3A_5, %add3A_9 : i32
    "tpu.region"() ({
      %run_scoped3A_77 = tpu.sem_alloc : memref<!tpu.dma_semaphore, #tpu.memory_space<semaphore_mem>>
      %dma_start3A_78 = arith.constant 0 : i32
      %dma_start3A_79 = arith.constant 0 : i32
      %dma_start3A_80 = tpu.memref_slice %arg8[%dma_start3A_78, %dma_start3A_79] : memref<128x128xf32, #tpu.memory_space<vmem>> -> memref<128x128xf32, #tpu.memory_space<vmem>>
      %dma_start3A_81 = arith.constant 0 : i32
      %dma_start3A_82 = tpu.memref_slice %arg10[%add3A_10, %dma_start3A_81] : memref<10112x128xf32, #tpu.memory_space<vmem_shared>> -> memref<128x128xf32, #tpu.memory_space<vmem_shared>>
      %dma_start3A_83 = arith.constant 0 : i32
      %dma_start3A_84 = tpu.memref_slice %arg10[%add3A_10, %dma_start3A_83] : memref<10112x128xf32, #tpu.memory_space<vmem_shared>> -> memref<128x128xf32, #tpu.memory_space<vmem_shared>>
      %dma_start3A_85 = arith.constant 0 : i32
      %dma_start3A_86 = arith.constant 0 : i32
      %dma_start3A_87 = tpu.memref_slice %arg8[%dma_start3A_85, %dma_start3A_86] : memref<128x128xf32, #tpu.memory_space<vmem>> -> memref<128x128xf32, #tpu.memory_space<vmem>>
      tpu.enqueue_dma source(%dma_start3A_87 : memref<128x128xf32, #tpu.memory_space<vmem>>) target(%dma_start3A_84 : memref<128x128xf32, #tpu.memory_space<vmem_shared>>) target_semaphore(%run_scoped3A_77 : memref<!tpu.dma_semaphore, #tpu.memory_space<semaphore_mem>>)
      %dma_wait3A_88 = arith.constant 0 : i32
      %dma_wait3A_89 = arith.constant 0 : i32
      %dma_wait3A_90 = tpu.memref_slice %arg8[%dma_wait3A_88, %dma_wait3A_89] : memref<128x128xf32, #tpu.memory_space<vmem>> -> memref<128x128xf32, #tpu.memory_space<vmem>>
      %dma_wait3A_91 = arith.constant 0 : i32
      %dma_wait3A_92 = tpu.memref_slice %arg10[%add3A_10, %dma_wait3A_91] : memref<10112x128xf32, #tpu.memory_space<vmem_shared>> -> memref<128x128xf32, #tpu.memory_space<vmem_shared>>
      %dma_wait3A_93 = arith.constant 0 : i32
      %dma_wait3A_94 = tpu.memref_slice %arg10[%add3A_10, %dma_wait3A_93] : memref<10112x128xf32, #tpu.memory_space<vmem_shared>> -> memref<128x128xf32, #tpu.memory_space<vmem_shared>>
      %dma_wait3A_95 = arith.constant 0 : i32
      %dma_wait3A_96 = arith.constant 0 : i32
      %dma_wait3A_97 = tpu.memref_slice %arg8[%dma_wait3A_95, %dma_wait3A_96] : memref<128x128xf32, #tpu.memory_space<vmem>> -> memref<128x128xf32, #tpu.memory_space<vmem>>
      tpu.wait_dma2 semaphore(%run_scoped3A_77 : memref<!tpu.dma_semaphore, #tpu.memory_space<semaphore_mem>>) src(%dma_wait3A_97 : memref<128x128xf32, #tpu.memory_space<vmem>>) dst(%dma_wait3A_94 : memref<128x128xf32, #tpu.memory_space<vmem_shared>>)
      tpu.yield
    }) : () -> ()
    %add3A_11 = arith.constant 384 : i32
    %add3A_12 = arith.addi %mul3A_5, %add3A_11 : i32
    "tpu.region"() ({
      %run_scoped3A_77 = tpu.sem_alloc : memref<!tpu.dma_semaphore, #tpu.memory_space<semaphore_mem>>
      %dma_start3A_78 = arith.constant 0 : i32
      %dma_start3A_79 = arith.constant 0 : i32
      %dma_start3A_80 = tpu.memref_slice %arg8[%dma_start3A_78, %dma_start3A_79] : memref<128x128xf32, #tpu.memory_space<vmem>> -> memref<128x128xf32, #tpu.memory_space<vmem>>
      %dma_start3A_81 = arith.constant 0 : i32
      %dma_start3A_82 = tpu.memref_slice %arg10[%add3A_12, %dma_start3A_81] : memref<10112x128xf32, #tpu.memory_space<vmem_shared>> -> memref<128x128xf32, #tpu.memory_space<vmem_shared>>
      %dma_start3A_83 = arith.constant 0 : i32
      %dma_start3A_84 = tpu.memref_slice %arg10[%add3A_12, %dma_start3A_83] : memref<10112x128xf32, #tpu.memory_space<vmem_shared>> -> memref<128x128xf32, #tpu.memory_space<vmem_shared>>
      %dma_start3A_85 = arith.constant 0 : i32
      %dma_start3A_86 = arith.constant 0 : i32
      %dma_start3A_87 = tpu.memref_slice %arg8[%dma_start3A_85, %dma_start3A_86] : memref<128x128xf32, #tpu.memory_space<vmem>> -> memref<128x128xf32, #tpu.memory_space<vmem>>
      tpu.enqueue_dma source(%dma_start3A_87 : memref<128x128xf32, #tpu.memory_space<vmem>>) target(%dma_start3A_84 : memref<128x128xf32, #tpu.memory_space<vmem_shared>>) target_semaphore(%run_scoped3A_77 : memref<!tpu.dma_semaphore, #tpu.memory_space<semaphore_mem>>)
      %dma_wait3A_88 = arith.constant 0 : i32
      %dma_wait3A_89 = arith.constant 0 : i32
      %dma_wait3A_90 = tpu.memref_slice %arg8[%dma_wait3A_88, %dma_wait3A_89] : memref<128x128xf32, #tpu.memory_space<vmem>> -> memref<128x128xf32, #tpu.memory_space<vmem>>
      %dma_wait3A_91 = arith.constant 0 : i32
      %dma_wait3A_92 = tpu.memref_slice %arg10[%add3A_12, %dma_wait3A_91] : memref<10112x128xf32, #tpu.memory_space<vmem_shared>> -> memref<128x128xf32, #tpu.memory_space<vmem_shared>>
      %dma_wait3A_93 = arith.constant 0 : i32
      %dma_wait3A_94 = tpu.memref_slice %arg10[%add3A_12, %dma_wait3A_93] : memref<10112x128xf32, #tpu.memory_space<vmem_shared>> -> memref<128x128xf32, #tpu.memory_space<vmem_shared>>
      %dma_wait3A_95 = arith.constant 0 : i32
      %dma_wait3A_96 = arith.constant 0 : i32
      %dma_wait3A_97 = tpu.memref_slice %arg8[%dma_wait3A_95, %dma_wait3A_96] : memref<128x128xf32, #tpu.memory_space<vmem>> -> memref<128x128xf32, #tpu.memory_space<vmem>>
      tpu.wait_dma2 semaphore(%run_scoped3A_77 : memref<!tpu.dma_semaphore, #tpu.memory_space<semaphore_mem>>) src(%dma_wait3A_97 : memref<128x128xf32, #tpu.memory_space<vmem>>) dst(%dma_wait3A_94 : memref<128x128xf32, #tpu.memory_space<vmem_shared>>)
      tpu.yield
    }) : () -> ()
    %add3A_13 = arith.constant 512 : i32
    %add3A_14 = arith.addi %mul3A_5, %add3A_13 : i32
    "tpu.region"() ({
      %run_scoped3A_77 = tpu.sem_alloc : memref<!tpu.dma_semaphore, #tpu.memory_space<semaphore_mem>>
      %dma_start3A_78 = arith.constant 0 : i32
      %dma_start3A_79 = arith.constant 0 : i32
      %dma_start3A_80 = tpu.memref_slice %arg8[%dma_start3A_78, %dma_start3A_79] : memref<128x128xf32, #tpu.memory_space<vmem>> -> memref<120x128xf32, #tpu.memory_space<vmem>>
      %dma_start3A_81 = arith.constant 0 : i32
      %dma_start3A_82 = tpu.memref_slice %arg10[%add3A_14, %dma_start3A_81] : memref<10112x128xf32, #tpu.memory_space<vmem_shared>> -> memref<120x128xf32, #tpu.memory_space<vmem_shared>>
      %dma_start3A_83 = arith.constant 0 : i32
      %dma_start3A_84 = tpu.memref_slice %arg10[%add3A_14, %dma_start3A_83] : memref<10112x128xf32, #tpu.memory_space<vmem_shared>> -> memref<120x128xf32, #tpu.memory_space<vmem_shared>>
      %dma_start3A_85 = arith.constant 0 : i32
      %dma_start3A_86 = arith.constant 0 : i32
      %dma_start3A_87 = tpu.memref_slice %arg8[%dma_start3A_85, %dma_start3A_86] : memref<128x128xf32, #tpu.memory_space<vmem>> -> memref<120x128xf32, #tpu.memory_space<vmem>>
      tpu.enqueue_dma source(%dma_start3A_87 : memref<120x128xf32, #tpu.memory_space<vmem>>) target(%dma_start3A_84 : memref<120x128xf32, #tpu.memory_space<vmem_shared>>) target_semaphore(%run_scoped3A_77 : memref<!tpu.dma_semaphore, #tpu.memory_space<semaphore_mem>>)
      %dma_wait3A_88 = arith.constant 0 : i32
      %dma_wait3A_89 = arith.constant 0 : i32
      %dma_wait3A_90 = tpu.memref_slice %arg8[%dma_wait3A_88, %dma_wait3A_89] : memref<128x128xf32, #tpu.memory_space<vmem>> -> memref<120x128xf32, #tpu.memory_space<vmem>>
      %dma_wait3A_91 = arith.constant 0 : i32
      %dma_wait3A_92 = tpu.memref_slice %arg10[%add3A_14, %dma_wait3A_91] : memref<10112x128xf32, #tpu.memory_space<vmem_shared>> -> memref<120x128xf32, #tpu.memory_space<vmem_shared>>
      %dma_wait3A_93 = arith.constant 0 : i32
      %dma_wait3A_94 = tpu.memref_slice %arg10[%add3A_14, %dma_wait3A_93] : memref<10112x128xf32, #tpu.memory_space<vmem_shared>> -> memref<120x128xf32, #tpu.memory_space<vmem_shared>>
      %dma_wait3A_95 = arith.constant 0 : i32
      %dma_wait3A_96 = arith.constant 0 : i32
      %dma_wait3A_97 = tpu.memref_slice %arg8[%dma_wait3A_95, %dma_wait3A_96] : memref<128x128xf32, #tpu.memory_space<vmem>> -> memref<120x128xf32, #tpu.memory_space<vmem>>
      tpu.wait_dma2 semaphore(%run_scoped3A_77 : memref<!tpu.dma_semaphore, #tpu.memory_space<semaphore_mem>>) src(%dma_wait3A_97 : memref<120x128xf32, #tpu.memory_space<vmem>>) dst(%dma_wait3A_94 : memref<120x128xf32, #tpu.memory_space<vmem_shared>>)
      tpu.yield
    }) : () -> ()
    %barrier3A = arith.constant 0 : index
    tpu.barrier barrier_id(%barrier3A)
    %mul3A_15 = arith.constant 80 : i32
    %mul3A_16 = arith.muli %arg1, %mul3A_15 : i32
    %add3A_17 = arith.constant 0 : i32
    %add3A_18 = arith.addi %mul3A_16, %add3A_17 : i32
    "tpu.region"() ({
      %run_scoped3A_77 = tpu.sem_alloc : memref<!tpu.dma_semaphore, #tpu.memory_space<semaphore_mem>>
      %dma_start3A_78 = arith.constant 0 : i32
      %dma_start3A_79 = tpu.memref_slice %arg3[%arg0, %add3A_18, %dma_start3A_78] : memref<2x1280x128xi32, #tpu.memory_space<hbm>> -> memref<1x40x128xi32, #tpu.memory_space<hbm>>
      %dma_start3A_80 = tpu.memref_squeeze %dma_start3A_79 : memref<1x40x128xi32, #tpu.memory_space<hbm>> -> memref<40x128xi32, #tpu.memory_space<hbm>>
      %dma_start3A_81 = arith.constant 0 : i32
      %dma_start3A_82 = tpu.memref_slice %arg3[%arg0, %add3A_18, %dma_start3A_81] : memref<2x1280x128xi32, #tpu.memory_space<hbm>> -> memref<1x40x128xi32, #tpu.memory_space<hbm>>
      %dma_start3A_83 = tpu.memref_squeeze %dma_start3A_82 : memref<1x40x128xi32, #tpu.memory_space<hbm>> -> memref<40x128xi32, #tpu.memory_space<hbm>>
      tpu.enqueue_dma source(%dma_start3A_83 : memref<40x128xi32, #tpu.memory_space<hbm>>) target(%arg6 : memref<40x128xi32, #tpu.memory_space<vmem>>) target_semaphore(%run_scoped3A_77 : memref<!tpu.dma_semaphore, #tpu.memory_space<semaphore_mem>>)
      %dma_wait3A_84 = arith.constant 0 : i32
      %dma_wait3A_85 = tpu.memref_slice %arg3[%arg0, %add3A_18, %dma_wait3A_84] : memref<2x1280x128xi32, #tpu.memory_space<hbm>> -> memref<1x40x128xi32, #tpu.memory_space<hbm>>
      %dma_wait3A_86 = tpu.memref_squeeze %dma_wait3A_85 : memref<1x40x128xi32, #tpu.memory_space<hbm>> -> memref<40x128xi32, #tpu.memory_space<hbm>>
      %dma_wait3A_87 = arith.constant 0 : i32
      %dma_wait3A_88 = tpu.memref_slice %arg3[%arg0, %add3A_18, %dma_wait3A_87] : memref<2x1280x128xi32, #tpu.memory_space<hbm>> -> memref<1x40x128xi32, #tpu.memory_space<hbm>>
      %dma_wait3A_89 = tpu.memref_squeeze %dma_wait3A_88 : memref<1x40x128xi32, #tpu.memory_space<hbm>> -> memref<40x128xi32, #tpu.memory_space<hbm>>
      tpu.wait_dma2 semaphore(%run_scoped3A_77 : memref<!tpu.dma_semaphore, #tpu.memory_space<semaphore_mem>>) src(%dma_wait3A_89 : memref<40x128xi32, #tpu.memory_space<hbm>>) dst(%arg6 : memref<40x128xi32, #tpu.memory_space<vmem>>)
      tpu.yield
    }) : () -> ()
    %mul3A_19 = arith.constant 80 : i32
    %mul3A_20 = arith.muli %arg1, %mul3A_19 : i32
    %add3A_21 = arith.constant 0 : i32
    %add3A_22 = arith.addi %mul3A_20, %add3A_21 : i32
    "tpu.region"() ({
      %run_scoped3A_77 = tpu.sem_alloc : memref<!tpu.dma_semaphore, #tpu.memory_space<semaphore_mem>>
      %dma_start3A_78 = arith.constant 0 : i32
      %dma_start3A_79 = tpu.memref_slice %arg4[%add3A_22, %dma_start3A_78] : memref<1280x128xi32, #tpu.memory_space<hbm>> -> memref<40x128xi32, #tpu.memory_space<hbm>>
      %dma_start3A_80 = arith.constant 0 : i32
      %dma_start3A_81 = tpu.memref_slice %arg4[%add3A_22, %dma_start3A_80] : memref<1280x128xi32, #tpu.memory_space<hbm>> -> memref<40x128xi32, #tpu.memory_space<hbm>>
      tpu.enqueue_dma source(%dma_start3A_81 : memref<40x128xi32, #tpu.memory_space<hbm>>) target(%arg7 : memref<40x128xi32, #tpu.memory_space<vmem>>) target_semaphore(%run_scoped3A_77 : memref<!tpu.dma_semaphore, #tpu.memory_space<semaphore_mem>>)
      %dma_wait3A_82 = arith.constant 0 : i32
      %dma_wait3A_83 = tpu.memref_slice %arg4[%add3A_22, %dma_wait3A_82] : memref<1280x128xi32, #tpu.memory_space<hbm>> -> memref<40x128xi32, #tpu.memory_space<hbm>>
      %dma_wait3A_84 = arith.constant 0 : i32
      %dma_wait3A_85 = tpu.memref_slice %arg4[%add3A_22, %dma_wait3A_84] : memref<1280x128xi32, #tpu.memory_space<hbm>> -> memref<40x128xi32, #tpu.memory_space<hbm>>
      tpu.wait_dma2 semaphore(%run_scoped3A_77 : memref<!tpu.dma_semaphore, #tpu.memory_space<semaphore_mem>>) src(%dma_wait3A_85 : memref<40x128xi32, #tpu.memory_space<hbm>>) dst(%arg7 : memref<40x128xi32, #tpu.memory_space<vmem>>)
      tpu.yield
    }) : () -> ()
    %run_scoped3A = arith.constant 0 : i32
    "tpu.region"() ({
      %run_scoped3A_77 = tpu.sem_alloc : memref<!tpu.dma_semaphore, #tpu.memory_space<semaphore_mem>>
      %dma_start3A_78 = arith.constant 0 : i32
      %dma_start3A_79 = tpu.memref_slice %arg6[%run_scoped3A, %dma_start3A_78] : memref<40x128xi32, #tpu.memory_space<vmem>> -> memref<1x128xi32, #tpu.memory_space<vmem>>
      %dma_start3A_80 = tpu.memref_squeeze %dma_start3A_79 : memref<1x128xi32, #tpu.memory_space<vmem>> -> memref<128xi32, #tpu.memory_space<vmem>>
      %dma_start3A_81 = arith.constant 0 : i32
      %dma_start3A_82 = arith.constant 0 : i32
      %dma_start3A_83 = tpu.memref_slice %arg2[%dma_start3A_81, %dma_start3A_82] : memref<20000x128xf32, #tpu.memory_space<hbm>> -> memref<20000x128xf32, #tpu.memory_space<hbm>>
      tpu.enqueue_indirect_dma source(%dma_start3A_83 : memref<20000x128xf32, #tpu.memory_space<hbm>>) target(%arg8 : memref<128x128xf32, #tpu.memory_space<vmem>>) offsets(%dma_start3A_80 : memref<128xi32, #tpu.memory_space<vmem>>) semaphore(%run_scoped3A_77 : memref<!tpu.dma_semaphore, #tpu.memory_space<semaphore_mem>>)
      %dma_wait3A_84 = arith.constant 0 : i32
      %dma_wait3A_85 = tpu.memref_slice %arg6[%run_scoped3A, %dma_wait3A_84] : memref<40x128xi32, #tpu.memory_space<vmem>> -> memref<1x128xi32, #tpu.memory_space<vmem>>
      %dma_wait3A_86 = tpu.memref_squeeze %dma_wait3A_85 : memref<1x128xi32, #tpu.memory_space<vmem>> -> memref<128xi32, #tpu.memory_space<vmem>>
      %dma_wait3A_87 = arith.constant 0 : i32
      %dma_wait3A_88 = arith.constant 0 : i32
      %dma_wait3A_89 = tpu.memref_slice %arg2[%dma_wait3A_87, %dma_wait3A_88] : memref<20000x128xf32, #tpu.memory_space<hbm>> -> memref<20000x128xf32, #tpu.memory_space<hbm>>
      tpu.wait_indirect_dma semaphore(%run_scoped3A_77 : memref<!tpu.dma_semaphore, #tpu.memory_space<semaphore_mem>>) src(%dma_wait3A_89 : memref<20000x128xf32, #tpu.memory_space<hbm>>) dst(%arg8 : memref<128x128xf32, #tpu.memory_space<vmem>>)
      tpu.yield
    }) : () -> ()
    %scan3A_23 = arith.constant 0 : i32
    %scan3A_24 = arith.constant 19 : i32
    %scan3A_25 = arith.addi %scan3A_23, %scan3A_24 : i32
    %scan3A_26 = arith.constant 1 : i32
    scf.for %scan3A_77 = %scan3A_23 to %scan3A_25 step %scan3A_26  : i32 {
      %mul3A_78 = arith.constant 2 : i32
      %mul3A_79 = arith.muli %scan3A_77, %mul3A_78 : i32
      %add3A_80 = arith.constant 0 : i32
      %add3A_81 = arith.addi %add3A_80, %mul3A_79 : i32
      %add3A_82 = arith.constant 1 : i32
      %add3A_83 = arith.addi %add3A_81, %add3A_82 : i32
      %dma_start3A_84 = arith.constant 0 : i32
      %dma_start3A_85 = tpu.memref_slice %arg6[%add3A_83, %dma_start3A_84] : memref<40x128xi32, #tpu.memory_space<vmem>> -> memref<1x128xi32, #tpu.memory_space<vmem>>
      %dma_start3A_86 = tpu.memref_squeeze %dma_start3A_85 : memref<1x128xi32, #tpu.memory_space<vmem>> -> memref<128xi32, #tpu.memory_space<vmem>>
      %dma_start3A_87 = arith.constant 0 : i32
      %dma_start3A_88 = arith.constant 0 : i32
      %dma_start3A_89 = tpu.memref_slice %arg2[%dma_start3A_87, %dma_start3A_88] : memref<20000x128xf32, #tpu.memory_space<hbm>> -> memref<20000x128xf32, #tpu.memory_space<hbm>>
      tpu.enqueue_indirect_dma source(%dma_start3A_89 : memref<20000x128xf32, #tpu.memory_space<hbm>>) target(%arg9 : memref<128x128xf32, #tpu.memory_space<vmem>>) offsets(%dma_start3A_86 : memref<128xi32, #tpu.memory_space<vmem>>) semaphore(%arg12 : memref<!tpu.dma_semaphore, #tpu.memory_space<semaphore_mem>>)
      "tpu.region"() ({
        %run_scoped3A_112 = tpu.sem_alloc : memref<!tpu.dma_semaphore, #tpu.memory_space<semaphore_mem>>
        %dma_start3A_113 = arith.constant 0 : i32
        %dma_start3A_114 = tpu.memref_slice %arg7[%add3A_81, %dma_start3A_113] : memref<40x128xi32, #tpu.memory_space<vmem>> -> memref<1x128xi32, #tpu.memory_space<vmem>>
        %dma_start3A_115 = tpu.memref_squeeze %dma_start3A_114 : memref<1x128xi32, #tpu.memory_space<vmem>> -> memref<128xi32, #tpu.memory_space<vmem>>
        %dma_start3A_116 = arith.constant 0 : i32
        %dma_start3A_117 = arith.constant 0 : i32
        %dma_start3A_118 = tpu.memref_slice %arg10[%dma_start3A_116, %dma_start3A_117] : memref<10112x128xf32, #tpu.memory_space<vmem_shared>> -> memref<10112x128xf32, #tpu.memory_space<vmem_shared>>
        tpu.enqueue_indirect_dma source(%arg8 : memref<128x128xf32, #tpu.memory_space<vmem>>) target(%dma_start3A_118 : memref<10112x128xf32, #tpu.memory_space<vmem_shared>>) offsets(%dma_start3A_115 : memref<128xi32, #tpu.memory_space<vmem>>) semaphore(%run_scoped3A_112 : memref<!tpu.dma_semaphore, #tpu.memory_space<semaphore_mem>>) {add = true}
        %dma_wait3A_119 = arith.constant 0 : i32
        %dma_wait3A_120 = tpu.memref_slice %arg7[%add3A_81, %dma_wait3A_119] : memref<40x128xi32, #tpu.memory_space<vmem>> -> memref<1x128xi32, #tpu.memory_space<vmem>>
        %dma_wait3A_121 = tpu.memref_squeeze %dma_wait3A_120 : memref<1x128xi32, #tpu.memory_space<vmem>> -> memref<128xi32, #tpu.memory_space<vmem>>
        %dma_wait3A_122 = arith.constant 0 : i32
        %dma_wait3A_123 = arith.constant 0 : i32
        %dma_wait3A_124 = tpu.memref_slice %arg10[%dma_wait3A_122, %dma_wait3A_123] : memref<10112x128xf32, #tpu.memory_space<vmem_shared>> -> memref<10112x128xf32, #tpu.memory_space<vmem_shared>>
        tpu.wait_indirect_dma semaphore(%run_scoped3A_112 : memref<!tpu.dma_semaphore, #tpu.memory_space<semaphore_mem>>) src(%arg8 : memref<128x128xf32, #tpu.memory_space<vmem>>) dst(%dma_wait3A_124 : memref<10112x128xf32, #tpu.memory_space<vmem_shared>>)
        tpu.yield
      }) : () -> ()
      %dma_wait3A_90 = arith.constant 0 : i32
      %dma_wait3A_91 = tpu.memref_slice %arg6[%add3A_83, %dma_wait3A_90] : memref<40x128xi32, #tpu.memory_space<vmem>> -> memref<1x128xi32, #tpu.memory_space<vmem>>
      %dma_wait3A_92 = tpu.memref_squeeze %dma_wait3A_91 : memref<1x128xi32, #tpu.memory_space<vmem>> -> memref<128xi32, #tpu.memory_space<vmem>>
      %dma_wait3A_93 = arith.constant 0 : i32
      %dma_wait3A_94 = arith.constant 0 : i32
      %dma_wait3A_95 = tpu.memref_slice %arg2[%dma_wait3A_93, %dma_wait3A_94] : memref<20000x128xf32, #tpu.memory_space<hbm>> -> memref<20000x128xf32, #tpu.memory_space<hbm>>
      tpu.wait_indirect_dma semaphore(%arg12 : memref<!tpu.dma_semaphore, #tpu.memory_space<semaphore_mem>>) src(%dma_wait3A_95 : memref<20000x128xf32, #tpu.memory_space<hbm>>) dst(%arg9 : memref<128x128xf32, #tpu.memory_space<vmem>>)
      %add3A_96 = arith.constant 2 : i32
      %add3A_97 = arith.addi %add3A_81, %add3A_96 : i32
      %dma_start3A_98 = arith.constant 0 : i32
      %dma_start3A_99 = tpu.memref_slice %arg6[%add3A_97, %dma_start3A_98] : memref<40x128xi32, #tpu.memory_space<vmem>> -> memref<1x128xi32, #tpu.memory_space<vmem>>
      %dma_start3A_100 = tpu.memref_squeeze %dma_start3A_99 : memref<1x128xi32, #tpu.memory_space<vmem>> -> memref<128xi32, #tpu.memory_space<vmem>>
      %dma_start3A_101 = arith.constant 0 : i32
      %dma_start3A_102 = arith.constant 0 : i32
      %dma_start3A_103 = tpu.memref_slice %arg2[%dma_start3A_101, %dma_start3A_102] : memref<20000x128xf32, #tpu.memory_space<hbm>> -> memref<20000x128xf32, #tpu.memory_space<hbm>>
      tpu.enqueue_indirect_dma source(%dma_start3A_103 : memref<20000x128xf32, #tpu.memory_space<hbm>>) target(%arg8 : memref<128x128xf32, #tpu.memory_space<vmem>>) offsets(%dma_start3A_100 : memref<128xi32, #tpu.memory_space<vmem>>) semaphore(%arg11 : memref<!tpu.dma_semaphore, #tpu.memory_space<semaphore_mem>>)
      %add3A_104 = arith.constant 1 : i32
      %add3A_105 = arith.addi %add3A_81, %add3A_104 : i32
      "tpu.region"() ({
        %run_scoped3A_112 = tpu.sem_alloc : memref<!tpu.dma_semaphore, #tpu.memory_space<semaphore_mem>>
        %dma_start3A_113 = arith.constant 0 : i32
        %dma_start3A_114 = tpu.memref_slice %arg7[%add3A_105, %dma_start3A_113] : memref<40x128xi32, #tpu.memory_space<vmem>> -> memref<1x128xi32, #tpu.memory_space<vmem>>
        %dma_start3A_115 = tpu.memref_squeeze %dma_start3A_114 : memref<1x128xi32, #tpu.memory_space<vmem>> -> memref<128xi32, #tpu.memory_space<vmem>>
        %dma_start3A_116 = arith.constant 0 : i32
        %dma_start3A_117 = arith.constant 0 : i32
        %dma_start3A_118 = tpu.memref_slice %arg10[%dma_start3A_116, %dma_start3A_117] : memref<10112x128xf32, #tpu.memory_space<vmem_shared>> -> memref<10112x128xf32, #tpu.memory_space<vmem_shared>>
        tpu.enqueue_indirect_dma source(%arg9 : memref<128x128xf32, #tpu.memory_space<vmem>>) target(%dma_start3A_118 : memref<10112x128xf32, #tpu.memory_space<vmem_shared>>) offsets(%dma_start3A_115 : memref<128xi32, #tpu.memory_space<vmem>>) semaphore(%run_scoped3A_112 : memref<!tpu.dma_semaphore, #tpu.memory_space<semaphore_mem>>) {add = true}
        %dma_wait3A_119 = arith.constant 0 : i32
        %dma_wait3A_120 = tpu.memref_slice %arg7[%add3A_105, %dma_wait3A_119] : memref<40x128xi32, #tpu.memory_space<vmem>> -> memref<1x128xi32, #tpu.memory_space<vmem>>
        %dma_wait3A_121 = tpu.memref_squeeze %dma_wait3A_120 : memref<1x128xi32, #tpu.memory_space<vmem>> -> memref<128xi32, #tpu.memory_space<vmem>>
        %dma_wait3A_122 = arith.constant 0 : i32
        %dma_wait3A_123 = arith.constant 0 : i32
        %dma_wait3A_124 = tpu.memref_slice %arg10[%dma_wait3A_122, %dma_wait3A_123] : memref<10112x128xf32, #tpu.memory_space<vmem_shared>> -> memref<10112x128xf32, #tpu.memory_space<vmem_shared>>
        tpu.wait_indirect_dma semaphore(%run_scoped3A_112 : memref<!tpu.dma_semaphore, #tpu.memory_space<semaphore_mem>>) src(%arg9 : memref<128x128xf32, #tpu.memory_space<vmem>>) dst(%dma_wait3A_124 : memref<10112x128xf32, #tpu.memory_space<vmem_shared>>)
        tpu.yield
      }) : () -> ()
      %dma_wait3A_106 = arith.constant 0 : i32
      %dma_wait3A_107 = tpu.memref_slice %arg6[%add3A_97, %dma_wait3A_106] : memref<40x128xi32, #tpu.memory_space<vmem>> -> memref<1x128xi32, #tpu.memory_space<vmem>>
      %dma_wait3A_108 = tpu.memref_squeeze %dma_wait3A_107 : memref<1x128xi32, #tpu.memory_space<vmem>> -> memref<128xi32, #tpu.memory_space<vmem>>
      %dma_wait3A_109 = arith.constant 0 : i32
      %dma_wait3A_110 = arith.constant 0 : i32
      %dma_wait3A_111 = tpu.memref_slice %arg2[%dma_wait3A_109, %dma_wait3A_110] : memref<20000x128xf32, #tpu.memory_space<hbm>> -> memref<20000x128xf32, #tpu.memory_space<hbm>>
      tpu.wait_indirect_dma semaphore(%arg11 : memref<!tpu.dma_semaphore, #tpu.memory_space<semaphore_mem>>) src(%dma_wait3A_111 : memref<20000x128xf32, #tpu.memory_space<hbm>>) dst(%arg8 : memref<128x128xf32, #tpu.memory_space<vmem>>)
    }
    %scan3A_27 = arith.constant 19 : i32
    %dma_start3A = arith.constant 39 : i32
    %dma_start3A_28 = arith.constant 0 : i32
    %dma_start3A_29 = tpu.memref_slice %arg6[%dma_start3A, %dma_start3A_28] : memref<40x128xi32, #tpu.memory_space<vmem>> -> memref<1x128xi32, #tpu.memory_space<vmem>>
    %dma_start3A_30 = tpu.memref_squeeze %dma_start3A_29 : memref<1x128xi32, #tpu.memory_space<vmem>> -> memref<128xi32, #tpu.memory_space<vmem>>
    %dma_start3A_31 = arith.constant 0 : i32
    %dma_start3A_32 = arith.constant 0 : i32
    %dma_start3A_33 = tpu.memref_slice %arg2[%dma_start3A_31, %dma_start3A_32] : memref<20000x128xf32, #tpu.memory_space<hbm>> -> memref<20000x128xf32, #tpu.memory_space<hbm>>
    tpu.enqueue_indirect_dma source(%dma_start3A_33 : memref<20000x128xf32, #tpu.memory_space<hbm>>) target(%arg9 : memref<128x128xf32, #tpu.memory_space<vmem>>) offsets(%dma_start3A_30 : memref<128xi32, #tpu.memory_space<vmem>>) semaphore(%arg12 : memref<!tpu.dma_semaphore, #tpu.memory_space<semaphore_mem>>)
    %run_scoped3A_34 = arith.constant 38 : i32
    "tpu.region"() ({
      %run_scoped3A_77 = tpu.sem_alloc : memref<!tpu.dma_semaphore, #tpu.memory_space<semaphore_mem>>
      %dma_start3A_78 = arith.constant 0 : i32
      %dma_start3A_79 = tpu.memref_slice %arg7[%run_scoped3A_34, %dma_start3A_78] : memref<40x128xi32, #tpu.memory_space<vmem>> -> memref<1x128xi32, #tpu.memory_space<vmem>>
      %dma_start3A_80 = tpu.memref_squeeze %dma_start3A_79 : memref<1x128xi32, #tpu.memory_space<vmem>> -> memref<128xi32, #tpu.memory_space<vmem>>
      %dma_start3A_81 = arith.constant 0 : i32
      %dma_start3A_82 = arith.constant 0 : i32
      %dma_start3A_83 = tpu.memref_slice %arg10[%dma_start3A_81, %dma_start3A_82] : memref<10112x128xf32, #tpu.memory_space<vmem_shared>> -> memref<10112x128xf32, #tpu.memory_space<vmem_shared>>
      tpu.enqueue_indirect_dma source(%arg8 : memref<128x128xf32, #tpu.memory_space<vmem>>) target(%dma_start3A_83 : memref<10112x128xf32, #tpu.memory_space<vmem_shared>>) offsets(%dma_start3A_80 : memref<128xi32, #tpu.memory_space<vmem>>) semaphore(%run_scoped3A_77 : memref<!tpu.dma_semaphore, #tpu.memory_space<semaphore_mem>>) {add = true}
      %dma_wait3A_84 = arith.constant 0 : i32
      %dma_wait3A_85 = tpu.memref_slice %arg7[%run_scoped3A_34, %dma_wait3A_84] : memref<40x128xi32, #tpu.memory_space<vmem>> -> memref<1x128xi32, #tpu.memory_space<vmem>>
      %dma_wait3A_86 = tpu.memref_squeeze %dma_wait3A_85 : memref<1x128xi32, #tpu.memory_space<vmem>> -> memref<128xi32, #tpu.memory_space<vmem>>
      %dma_wait3A_87 = arith.constant 0 : i32
      %dma_wait3A_88 = arith.constant 0 : i32
      %dma_wait3A_89 = tpu.memref_slice %arg10[%dma_wait3A_87, %dma_wait3A_88] : memref<10112x128xf32, #tpu.memory_space<vmem_shared>> -> memref<10112x128xf32, #tpu.memory_space<vmem_shared>>
      tpu.wait_indirect_dma semaphore(%run_scoped3A_77 : memref<!tpu.dma_semaphore, #tpu.memory_space<semaphore_mem>>) src(%arg8 : memref<128x128xf32, #tpu.memory_space<vmem>>) dst(%dma_wait3A_89 : memref<10112x128xf32, #tpu.memory_space<vmem_shared>>)
      tpu.yield
    }) : () -> ()
    %dma_wait3A = arith.constant 39 : i32
    %dma_wait3A_35 = arith.constant 0 : i32
    %dma_wait3A_36 = tpu.memref_slice %arg6[%dma_wait3A, %dma_wait3A_35] : memref<40x128xi32, #tpu.memory_space<vmem>> -> memref<1x128xi32, #tpu.memory_space<vmem>>
    %dma_wait3A_37 = tpu.memref_squeeze %dma_wait3A_36 : memref<1x128xi32, #tpu.memory_space<vmem>> -> memref<128xi32, #tpu.memory_space<vmem>>
    %dma_wait3A_38 = arith.constant 0 : i32
    %dma_wait3A_39 = arith.constant 0 : i32
    %dma_wait3A_40 = tpu.memref_slice %arg2[%dma_wait3A_38, %dma_wait3A_39] : memref<20000x128xf32, #tpu.memory_space<hbm>> -> memref<20000x128xf32, #tpu.memory_space<hbm>>
    tpu.wait_indirect_dma semaphore(%arg12 : memref<!tpu.dma_semaphore, #tpu.memory_space<semaphore_mem>>) src(%dma_wait3A_40 : memref<20000x128xf32, #tpu.memory_space<hbm>>) dst(%arg9 : memref<128x128xf32, #tpu.memory_space<vmem>>)
    %run_scoped3A_41 = arith.constant 39 : i32
    "tpu.region"() ({
      %run_scoped3A_77 = tpu.sem_alloc : memref<!tpu.dma_semaphore, #tpu.memory_space<semaphore_mem>>
      %dma_start3A_78 = arith.constant 0 : i32
      %dma_start3A_79 = tpu.memref_slice %arg7[%run_scoped3A_41, %dma_start3A_78] : memref<40x128xi32, #tpu.memory_space<vmem>> -> memref<1x128xi32, #tpu.memory_space<vmem>>
      %dma_start3A_80 = tpu.memref_squeeze %dma_start3A_79 : memref<1x128xi32, #tpu.memory_space<vmem>> -> memref<128xi32, #tpu.memory_space<vmem>>
      %dma_start3A_81 = arith.constant 0 : i32
      %dma_start3A_82 = arith.constant 0 : i32
      %dma_start3A_83 = tpu.memref_slice %arg10[%dma_start3A_81, %dma_start3A_82] : memref<10112x128xf32, #tpu.memory_space<vmem_shared>> -> memref<10112x128xf32, #tpu.memory_space<vmem_shared>>
      tpu.enqueue_indirect_dma source(%arg9 : memref<128x128xf32, #tpu.memory_space<vmem>>) target(%dma_start3A_83 : memref<10112x128xf32, #tpu.memory_space<vmem_shared>>) offsets(%dma_start3A_80 : memref<128xi32, #tpu.memory_space<vmem>>) semaphore(%run_scoped3A_77 : memref<!tpu.dma_semaphore, #tpu.memory_space<semaphore_mem>>) {add = true}
      %dma_wait3A_84 = arith.constant 0 : i32
      %dma_wait3A_85 = tpu.memref_slice %arg7[%run_scoped3A_41, %dma_wait3A_84] : memref<40x128xi32, #tpu.memory_space<vmem>> -> memref<1x128xi32, #tpu.memory_space<vmem>>
      %dma_wait3A_86 = tpu.memref_squeeze %dma_wait3A_85 : memref<1x128xi32, #tpu.memory_space<vmem>> -> memref<128xi32, #tpu.memory_space<vmem>>
      %dma_wait3A_87 = arith.constant 0 : i32
      %dma_wait3A_88 = arith.constant 0 : i32
      %dma_wait3A_89 = tpu.memref_slice %arg10[%dma_wait3A_87, %dma_wait3A_88] : memref<10112x128xf32, #tpu.memory_space<vmem_shared>> -> memref<10112x128xf32, #tpu.memory_space<vmem_shared>>
      tpu.wait_indirect_dma semaphore(%run_scoped3A_77 : memref<!tpu.dma_semaphore, #tpu.memory_space<semaphore_mem>>) src(%arg9 : memref<128x128xf32, #tpu.memory_space<vmem>>) dst(%dma_wait3A_89 : memref<10112x128xf32, #tpu.memory_space<vmem_shared>>)
      tpu.yield
    }) : () -> ()
    %mul3A_42 = arith.constant 80 : i32
    %mul3A_43 = arith.muli %arg1, %mul3A_42 : i32
    %add3A_44 = arith.constant 40 : i32
    %add3A_45 = arith.addi %mul3A_43, %add3A_44 : i32
    "tpu.region"() ({
      %run_scoped3A_77 = tpu.sem_alloc : memref<!tpu.dma_semaphore, #tpu.memory_space<semaphore_mem>>
      %dma_start3A_78 = arith.constant 0 : i32
      %dma_start3A_79 = tpu.memref_slice %arg3[%arg0, %add3A_45, %dma_start3A_78] : memref<2x1280x128xi32, #tpu.memory_space<hbm>> -> memref<1x40x128xi32, #tpu.memory_space<hbm>>
      %dma_start3A_80 = tpu.memref_squeeze %dma_start3A_79 : memref<1x40x128xi32, #tpu.memory_space<hbm>> -> memref<40x128xi32, #tpu.memory_space<hbm>>
      %dma_start3A_81 = arith.constant 0 : i32
      %dma_start3A_82 = tpu.memref_slice %arg3[%arg0, %add3A_45, %dma_start3A_81] : memref<2x1280x128xi32, #tpu.memory_space<hbm>> -> memref<1x40x128xi32, #tpu.memory_space<hbm>>
      %dma_start3A_83 = tpu.memref_squeeze %dma_start3A_82 : memref<1x40x128xi32, #tpu.memory_space<hbm>> -> memref<40x128xi32, #tpu.memory_space<hbm>>
      tpu.enqueue_dma source(%dma_start3A_83 : memref<40x128xi32, #tpu.memory_space<hbm>>) target(%arg6 : memref<40x128xi32, #tpu.memory_space<vmem>>) target_semaphore(%run_scoped3A_77 : memref<!tpu.dma_semaphore, #tpu.memory_space<semaphore_mem>>)
      %dma_wait3A_84 = arith.constant 0 : i32
      %dma_wait3A_85 = tpu.memref_slice %arg3[%arg0, %add3A_45, %dma_wait3A_84] : memref<2x1280x128xi32, #tpu.memory_space<hbm>> -> memref<1x40x128xi32, #tpu.memory_space<hbm>>
      %dma_wait3A_86 = tpu.memref_squeeze %dma_wait3A_85 : memref<1x40x128xi32, #tpu.memory_space<hbm>> -> memref<40x128xi32, #tpu.memory_space<hbm>>
      %dma_wait3A_87 = arith.constant 0 : i32
      %dma_wait3A_88 = tpu.memref_slice %arg3[%arg0, %add3A_45, %dma_wait3A_87] : memref<2x1280x128xi32, #tpu.memory_space<hbm>> -> memref<1x40x128xi32, #tpu.memory_space<hbm>>
      %dma_wait3A_89 = tpu.memref_squeeze %dma_wait3A_88 : memref<1x40x128xi32, #tpu.memory_space<hbm>> -> memref<40x128xi32, #tpu.memory_space<hbm>>
      tpu.wait_dma2 semaphore(%run_scoped3A_77 : memref<!tpu.dma_semaphore, #tpu.memory_space<semaphore_mem>>) src(%dma_wait3A_89 : memref<40x128xi32, #tpu.memory_space<hbm>>) dst(%arg6 : memref<40x128xi32, #tpu.memory_space<vmem>>)
      tpu.yield
    }) : () -> ()
    %mul3A_46 = arith.constant 80 : i32
    %mul3A_47 = arith.muli %arg1, %mul3A_46 : i32
    %add3A_48 = arith.constant 40 : i32
    %add3A_49 = arith.addi %mul3A_47, %add3A_48 : i32
    "tpu.region"() ({
      %run_scoped3A_77 = tpu.sem_alloc : memref<!tpu.dma_semaphore, #tpu.memory_space<semaphore_mem>>
      %dma_start3A_78 = arith.constant 0 : i32
      %dma_start3A_79 = tpu.memref_slice %arg4[%add3A_49, %dma_start3A_78] : memref<1280x128xi32, #tpu.memory_space<hbm>> -> memref<40x128xi32, #tpu.memory_space<hbm>>
      %dma_start3A_80 = arith.constant 0 : i32
      %dma_start3A_81 = tpu.memref_slice %arg4[%add3A_49, %dma_start3A_80] : memref<1280x128xi32, #tpu.memory_space<hbm>> -> memref<40x128xi32, #tpu.memory_space<hbm>>
      tpu.enqueue_dma source(%dma_start3A_81 : memref<40x128xi32, #tpu.memory_space<hbm>>) target(%arg7 : memref<40x128xi32, #tpu.memory_space<vmem>>) target_semaphore(%run_scoped3A_77 : memref<!tpu.dma_semaphore, #tpu.memory_space<semaphore_mem>>)
      %dma_wait3A_82 = arith.constant 0 : i32
      %dma_wait3A_83 = tpu.memref_slice %arg4[%add3A_49, %dma_wait3A_82] : memref<1280x128xi32, #tpu.memory_space<hbm>> -> memref<40x128xi32, #tpu.memory_space<hbm>>
      %dma_wait3A_84 = arith.constant 0 : i32
      %dma_wait3A_85 = tpu.memref_slice %arg4[%add3A_49, %dma_wait3A_84] : memref<1280x128xi32, #tpu.memory_space<hbm>> -> memref<40x128xi32, #tpu.memory_space<hbm>>
      tpu.wait_dma2 semaphore(%run_scoped3A_77 : memref<!tpu.dma_semaphore, #tpu.memory_space<semaphore_mem>>) src(%dma_wait3A_85 : memref<40x128xi32, #tpu.memory_space<hbm>>) dst(%arg7 : memref<40x128xi32, #tpu.memory_space<vmem>>)
      tpu.yield
    }) : () -> ()
    %run_scoped3A_50 = arith.constant 0 : i32
    "tpu.region"() ({
      %run_scoped3A_77 = tpu.sem_alloc : memref<!tpu.dma_semaphore, #tpu.memory_space<semaphore_mem>>
      %dma_start3A_78 = arith.constant 0 : i32
      %dma_start3A_79 = tpu.memref_slice %arg6[%run_scoped3A_50, %dma_start3A_78] : memref<40x128xi32, #tpu.memory_space<vmem>> -> memref<1x128xi32, #tpu.memory_space<vmem>>
      %dma_start3A_80 = tpu.memref_squeeze %dma_start3A_79 : memref<1x128xi32, #tpu.memory_space<vmem>> -> memref<128xi32, #tpu.memory_space<vmem>>
      %dma_start3A_81 = arith.constant 0 : i32
      %dma_start3A_82 = arith.constant 0 : i32
      %dma_start3A_83 = tpu.memref_slice %arg2[%dma_start3A_81, %dma_start3A_82] : memref<20000x128xf32, #tpu.memory_space<hbm>> -> memref<20000x128xf32, #tpu.memory_space<hbm>>
      tpu.enqueue_indirect_dma source(%dma_start3A_83 : memref<20000x128xf32, #tpu.memory_space<hbm>>) target(%arg8 : memref<128x128xf32, #tpu.memory_space<vmem>>) offsets(%dma_start3A_80 : memref<128xi32, #tpu.memory_space<vmem>>) semaphore(%run_scoped3A_77 : memref<!tpu.dma_semaphore, #tpu.memory_space<semaphore_mem>>)
      %dma_wait3A_84 = arith.constant 0 : i32
      %dma_wait3A_85 = tpu.memref_slice %arg6[%run_scoped3A_50, %dma_wait3A_84] : memref<40x128xi32, #tpu.memory_space<vmem>> -> memref<1x128xi32, #tpu.memory_space<vmem>>
      %dma_wait3A_86 = tpu.memref_squeeze %dma_wait3A_85 : memref<1x128xi32, #tpu.memory_space<vmem>> -> memref<128xi32, #tpu.memory_space<vmem>>
      %dma_wait3A_87 = arith.constant 0 : i32
      %dma_wait3A_88 = arith.constant 0 : i32
      %dma_wait3A_89 = tpu.memref_slice %arg2[%dma_wait3A_87, %dma_wait3A_88] : memref<20000x128xf32, #tpu.memory_space<hbm>> -> memref<20000x128xf32, #tpu.memory_space<hbm>>
      tpu.wait_indirect_dma semaphore(%run_scoped3A_77 : memref<!tpu.dma_semaphore, #tpu.memory_space<semaphore_mem>>) src(%dma_wait3A_89 : memref<20000x128xf32, #tpu.memory_space<hbm>>) dst(%arg8 : memref<128x128xf32, #tpu.memory_space<vmem>>)
      tpu.yield
    }) : () -> ()
    %scan3A_51 = arith.constant 0 : i32
    %scan3A_52 = arith.constant 19 : i32
    %scan3A_53 = arith.addi %scan3A_51, %scan3A_52 : i32
    %scan3A_54 = arith.constant 1 : i32
    scf.for %scan3A_77 = %scan3A_51 to %scan3A_53 step %scan3A_54  : i32 {
      %mul3A_78 = arith.constant 2 : i32
      %mul3A_79 = arith.muli %scan3A_77, %mul3A_78 : i32
      %add3A_80 = arith.constant 0 : i32
      %add3A_81 = arith.addi %add3A_80, %mul3A_79 : i32
      %add3A_82 = arith.constant 1 : i32
      %add3A_83 = arith.addi %add3A_81, %add3A_82 : i32
      %dma_start3A_84 = arith.constant 0 : i32
      %dma_start3A_85 = tpu.memref_slice %arg6[%add3A_83, %dma_start3A_84] : memref<40x128xi32, #tpu.memory_space<vmem>> -> memref<1x128xi32, #tpu.memory_space<vmem>>
      %dma_start3A_86 = tpu.memref_squeeze %dma_start3A_85 : memref<1x128xi32, #tpu.memory_space<vmem>> -> memref<128xi32, #tpu.memory_space<vmem>>
      %dma_start3A_87 = arith.constant 0 : i32
      %dma_start3A_88 = arith.constant 0 : i32
      %dma_start3A_89 = tpu.memref_slice %arg2[%dma_start3A_87, %dma_start3A_88] : memref<20000x128xf32, #tpu.memory_space<hbm>> -> memref<20000x128xf32, #tpu.memory_space<hbm>>
      tpu.enqueue_indirect_dma source(%dma_start3A_89 : memref<20000x128xf32, #tpu.memory_space<hbm>>) target(%arg9 : memref<128x128xf32, #tpu.memory_space<vmem>>) offsets(%dma_start3A_86 : memref<128xi32, #tpu.memory_space<vmem>>) semaphore(%arg12 : memref<!tpu.dma_semaphore, #tpu.memory_space<semaphore_mem>>)
      "tpu.region"() ({
        %run_scoped3A_112 = tpu.sem_alloc : memref<!tpu.dma_semaphore, #tpu.memory_space<semaphore_mem>>
        %dma_start3A_113 = arith.constant 0 : i32
        %dma_start3A_114 = tpu.memref_slice %arg7[%add3A_81, %dma_start3A_113] : memref<40x128xi32, #tpu.memory_space<vmem>> -> memref<1x128xi32, #tpu.memory_space<vmem>>
        %dma_start3A_115 = tpu.memref_squeeze %dma_start3A_114 : memref<1x128xi32, #tpu.memory_space<vmem>> -> memref<128xi32, #tpu.memory_space<vmem>>
        %dma_start3A_116 = arith.constant 0 : i32
        %dma_start3A_117 = arith.constant 0 : i32
        %dma_start3A_118 = tpu.memref_slice %arg10[%dma_start3A_116, %dma_start3A_117] : memref<10112x128xf32, #tpu.memory_space<vmem_shared>> -> memref<10112x128xf32, #tpu.memory_space<vmem_shared>>
        tpu.enqueue_indirect_dma source(%arg8 : memref<128x128xf32, #tpu.memory_space<vmem>>) target(%dma_start3A_118 : memref<10112x128xf32, #tpu.memory_space<vmem_shared>>) offsets(%dma_start3A_115 : memref<128xi32, #tpu.memory_space<vmem>>) semaphore(%run_scoped3A_112 : memref<!tpu.dma_semaphore, #tpu.memory_space<semaphore_mem>>) {add = true}
        %dma_wait3A_119 = arith.constant 0 : i32
        %dma_wait3A_120 = tpu.memref_slice %arg7[%add3A_81, %dma_wait3A_119] : memref<40x128xi32, #tpu.memory_space<vmem>> -> memref<1x128xi32, #tpu.memory_space<vmem>>
        %dma_wait3A_121 = tpu.memref_squeeze %dma_wait3A_120 : memref<1x128xi32, #tpu.memory_space<vmem>> -> memref<128xi32, #tpu.memory_space<vmem>>
        %dma_wait3A_122 = arith.constant 0 : i32
        %dma_wait3A_123 = arith.constant 0 : i32
        %dma_wait3A_124 = tpu.memref_slice %arg10[%dma_wait3A_122, %dma_wait3A_123] : memref<10112x128xf32, #tpu.memory_space<vmem_shared>> -> memref<10112x128xf32, #tpu.memory_space<vmem_shared>>
        tpu.wait_indirect_dma semaphore(%run_scoped3A_112 : memref<!tpu.dma_semaphore, #tpu.memory_space<semaphore_mem>>) src(%arg8 : memref<128x128xf32, #tpu.memory_space<vmem>>) dst(%dma_wait3A_124 : memref<10112x128xf32, #tpu.memory_space<vmem_shared>>)
        tpu.yield
      }) : () -> ()
      %dma_wait3A_90 = arith.constant 0 : i32
      %dma_wait3A_91 = tpu.memref_slice %arg6[%add3A_83, %dma_wait3A_90] : memref<40x128xi32, #tpu.memory_space<vmem>> -> memref<1x128xi32, #tpu.memory_space<vmem>>
      %dma_wait3A_92 = tpu.memref_squeeze %dma_wait3A_91 : memref<1x128xi32, #tpu.memory_space<vmem>> -> memref<128xi32, #tpu.memory_space<vmem>>
      %dma_wait3A_93 = arith.constant 0 : i32
      %dma_wait3A_94 = arith.constant 0 : i32
      %dma_wait3A_95 = tpu.memref_slice %arg2[%dma_wait3A_93, %dma_wait3A_94] : memref<20000x128xf32, #tpu.memory_space<hbm>> -> memref<20000x128xf32, #tpu.memory_space<hbm>>
      tpu.wait_indirect_dma semaphore(%arg12 : memref<!tpu.dma_semaphore, #tpu.memory_space<semaphore_mem>>) src(%dma_wait3A_95 : memref<20000x128xf32, #tpu.memory_space<hbm>>) dst(%arg9 : memref<128x128xf32, #tpu.memory_space<vmem>>)
      %add3A_96 = arith.constant 2 : i32
      %add3A_97 = arith.addi %add3A_81, %add3A_96 : i32
      %dma_start3A_98 = arith.constant 0 : i32
      %dma_start3A_99 = tpu.memref_slice %arg6[%add3A_97, %dma_start3A_98] : memref<40x128xi32, #tpu.memory_space<vmem>> -> memref<1x128xi32, #tpu.memory_space<vmem>>
      %dma_start3A_100 = tpu.memref_squeeze %dma_start3A_99 : memref<1x128xi32, #tpu.memory_space<vmem>> -> memref<128xi32, #tpu.memory_space<vmem>>
      %dma_start3A_101 = arith.constant 0 : i32
      %dma_start3A_102 = arith.constant 0 : i32
      %dma_start3A_103 = tpu.memref_slice %arg2[%dma_start3A_101, %dma_start3A_102] : memref<20000x128xf32, #tpu.memory_space<hbm>> -> memref<20000x128xf32, #tpu.memory_space<hbm>>
      tpu.enqueue_indirect_dma source(%dma_start3A_103 : memref<20000x128xf32, #tpu.memory_space<hbm>>) target(%arg8 : memref<128x128xf32, #tpu.memory_space<vmem>>) offsets(%dma_start3A_100 : memref<128xi32, #tpu.memory_space<vmem>>) semaphore(%arg11 : memref<!tpu.dma_semaphore, #tpu.memory_space<semaphore_mem>>)
      %add3A_104 = arith.constant 1 : i32
      %add3A_105 = arith.addi %add3A_81, %add3A_104 : i32
      "tpu.region"() ({
        %run_scoped3A_112 = tpu.sem_alloc : memref<!tpu.dma_semaphore, #tpu.memory_space<semaphore_mem>>
        %dma_start3A_113 = arith.constant 0 : i32
        %dma_start3A_114 = tpu.memref_slice %arg7[%add3A_105, %dma_start3A_113] : memref<40x128xi32, #tpu.memory_space<vmem>> -> memref<1x128xi32, #tpu.memory_space<vmem>>
        %dma_start3A_115 = tpu.memref_squeeze %dma_start3A_114 : memref<1x128xi32, #tpu.memory_space<vmem>> -> memref<128xi32, #tpu.memory_space<vmem>>
        %dma_start3A_116 = arith.constant 0 : i32
        %dma_start3A_117 = arith.constant 0 : i32
        %dma_start3A_118 = tpu.memref_slice %arg10[%dma_start3A_116, %dma_start3A_117] : memref<10112x128xf32, #tpu.memory_space<vmem_shared>> -> memref<10112x128xf32, #tpu.memory_space<vmem_shared>>
        tpu.enqueue_indirect_dma source(%arg9 : memref<128x128xf32, #tpu.memory_space<vmem>>) target(%dma_start3A_118 : memref<10112x128xf32, #tpu.memory_space<vmem_shared>>) offsets(%dma_start3A_115 : memref<128xi32, #tpu.memory_space<vmem>>) semaphore(%run_scoped3A_112 : memref<!tpu.dma_semaphore, #tpu.memory_space<semaphore_mem>>) {add = true}
        %dma_wait3A_119 = arith.constant 0 : i32
        %dma_wait3A_120 = tpu.memref_slice %arg7[%add3A_105, %dma_wait3A_119] : memref<40x128xi32, #tpu.memory_space<vmem>> -> memref<1x128xi32, #tpu.memory_space<vmem>>
        %dma_wait3A_121 = tpu.memref_squeeze %dma_wait3A_120 : memref<1x128xi32, #tpu.memory_space<vmem>> -> memref<128xi32, #tpu.memory_space<vmem>>
        %dma_wait3A_122 = arith.constant 0 : i32
        %dma_wait3A_123 = arith.constant 0 : i32
        %dma_wait3A_124 = tpu.memref_slice %arg10[%dma_wait3A_122, %dma_wait3A_123] : memref<10112x128xf32, #tpu.memory_space<vmem_shared>> -> memref<10112x128xf32, #tpu.memory_space<vmem_shared>>
        tpu.wait_indirect_dma semaphore(%run_scoped3A_112 : memref<!tpu.dma_semaphore, #tpu.memory_space<semaphore_mem>>) src(%arg9 : memref<128x128xf32, #tpu.memory_space<vmem>>) dst(%dma_wait3A_124 : memref<10112x128xf32, #tpu.memory_space<vmem_shared>>)
        tpu.yield
      }) : () -> ()
      %dma_wait3A_106 = arith.constant 0 : i32
      %dma_wait3A_107 = tpu.memref_slice %arg6[%add3A_97, %dma_wait3A_106] : memref<40x128xi32, #tpu.memory_space<vmem>> -> memref<1x128xi32, #tpu.memory_space<vmem>>
      %dma_wait3A_108 = tpu.memref_squeeze %dma_wait3A_107 : memref<1x128xi32, #tpu.memory_space<vmem>> -> memref<128xi32, #tpu.memory_space<vmem>>
      %dma_wait3A_109 = arith.constant 0 : i32
      %dma_wait3A_110 = arith.constant 0 : i32
      %dma_wait3A_111 = tpu.memref_slice %arg2[%dma_wait3A_109, %dma_wait3A_110] : memref<20000x128xf32, #tpu.memory_space<hbm>> -> memref<20000x128xf32, #tpu.memory_space<hbm>>
      tpu.wait_indirect_dma semaphore(%arg11 : memref<!tpu.dma_semaphore, #tpu.memory_space<semaphore_mem>>) src(%dma_wait3A_111 : memref<20000x128xf32, #tpu.memory_space<hbm>>) dst(%arg8 : memref<128x128xf32, #tpu.memory_space<vmem>>)
    }
    %scan3A_55 = arith.constant 19 : i32
    %dma_start3A_56 = arith.constant 39 : i32
    %dma_start3A_57 = arith.constant 0 : i32
    %dma_start3A_58 = tpu.memref_slice %arg6[%dma_start3A_56, %dma_start3A_57] : memref<40x128xi32, #tpu.memory_space<vmem>> -> memref<1x128xi32, #tpu.memory_space<vmem>>
    %dma_start3A_59 = tpu.memref_squeeze %dma_start3A_58 : memref<1x128xi32, #tpu.memory_space<vmem>> -> memref<128xi32, #tpu.memory_space<vmem>>
    %dma_start3A_60 = arith.constant 0 : i32
    %dma_start3A_61 = arith.constant 0 : i32
    %dma_start3A_62 = tpu.memref_slice %arg2[%dma_start3A_60, %dma_start3A_61] : memref<20000x128xf32, #tpu.memory_space<hbm>> -> memref<20000x128xf32, #tpu.memory_space<hbm>>
    tpu.enqueue_indirect_dma source(%dma_start3A_62 : memref<20000x128xf32, #tpu.memory_space<hbm>>) target(%arg9 : memref<128x128xf32, #tpu.memory_space<vmem>>) offsets(%dma_start3A_59 : memref<128xi32, #tpu.memory_space<vmem>>) semaphore(%arg12 : memref<!tpu.dma_semaphore, #tpu.memory_space<semaphore_mem>>)
    %run_scoped3A_63 = arith.constant 38 : i32
    "tpu.region"() ({
      %run_scoped3A_77 = tpu.sem_alloc : memref<!tpu.dma_semaphore, #tpu.memory_space<semaphore_mem>>
      %dma_start3A_78 = arith.constant 0 : i32
      %dma_start3A_79 = tpu.memref_slice %arg7[%run_scoped3A_63, %dma_start3A_78] : memref<40x128xi32, #tpu.memory_space<vmem>> -> memref<1x128xi32, #tpu.memory_space<vmem>>
      %dma_start3A_80 = tpu.memref_squeeze %dma_start3A_79 : memref<1x128xi32, #tpu.memory_space<vmem>> -> memref<128xi32, #tpu.memory_space<vmem>>
      %dma_start3A_81 = arith.constant 0 : i32
      %dma_start3A_82 = arith.constant 0 : i32
      %dma_start3A_83 = tpu.memref_slice %arg10[%dma_start3A_81, %dma_start3A_82] : memref<10112x128xf32, #tpu.memory_space<vmem_shared>> -> memref<10112x128xf32, #tpu.memory_space<vmem_shared>>
      tpu.enqueue_indirect_dma source(%arg8 : memref<128x128xf32, #tpu.memory_space<vmem>>) target(%dma_start3A_83 : memref<10112x128xf32, #tpu.memory_space<vmem_shared>>) offsets(%dma_start3A_80 : memref<128xi32, #tpu.memory_space<vmem>>) semaphore(%run_scoped3A_77 : memref<!tpu.dma_semaphore, #tpu.memory_space<semaphore_mem>>) {add = true}
      %dma_wait3A_84 = arith.constant 0 : i32
      %dma_wait3A_85 = tpu.memref_slice %arg7[%run_scoped3A_63, %dma_wait3A_84] : memref<40x128xi32, #tpu.memory_space<vmem>> -> memref<1x128xi32, #tpu.memory_space<vmem>>
      %dma_wait3A_86 = tpu.memref_squeeze %dma_wait3A_85 : memref<1x128xi32, #tpu.memory_space<vmem>> -> memref<128xi32, #tpu.memory_space<vmem>>
      %dma_wait3A_87 = arith.constant 0 : i32
      %dma_wait3A_88 = arith.constant 0 : i32
      %dma_wait3A_89 = tpu.memref_slice %arg10[%dma_wait3A_87, %dma_wait3A_88] : memref<10112x128xf32, #tpu.memory_space<vmem_shared>> -> memref<10112x128xf32, #tpu.memory_space<vmem_shared>>
      tpu.wait_indirect_dma semaphore(%run_scoped3A_77 : memref<!tpu.dma_semaphore, #tpu.memory_space<semaphore_mem>>) src(%arg8 : memref<128x128xf32, #tpu.memory_space<vmem>>) dst(%dma_wait3A_89 : memref<10112x128xf32, #tpu.memory_space<vmem_shared>>)
      tpu.yield
    }) : () -> ()
    %dma_wait3A_64 = arith.constant 39 : i32
    %dma_wait3A_65 = arith.constant 0 : i32
    %dma_wait3A_66 = tpu.memref_slice %arg6[%dma_wait3A_64, %dma_wait3A_65] : memref<40x128xi32, #tpu.memory_space<vmem>> -> memref<1x128xi32, #tpu.memory_space<vmem>>
    %dma_wait3A_67 = tpu.memref_squeeze %dma_wait3A_66 : memref<1x128xi32, #tpu.memory_space<vmem>> -> memref<128xi32, #tpu.memory_space<vmem>>
    %dma_wait3A_68 = arith.constant 0 : i32
    %dma_wait3A_69 = arith.constant 0 : i32
    %dma_wait3A_70 = tpu.memref_slice %arg2[%dma_wait3A_68, %dma_wait3A_69] : memref<20000x128xf32, #tpu.memory_space<hbm>> -> memref<20000x128xf32, #tpu.memory_space<hbm>>
    tpu.wait_indirect_dma semaphore(%arg12 : memref<!tpu.dma_semaphore, #tpu.memory_space<semaphore_mem>>) src(%dma_wait3A_70 : memref<20000x128xf32, #tpu.memory_space<hbm>>) dst(%arg9 : memref<128x128xf32, #tpu.memory_space<vmem>>)
    %run_scoped3A_71 = arith.constant 39 : i32
    "tpu.region"() ({
      %run_scoped3A_77 = tpu.sem_alloc : memref<!tpu.dma_semaphore, #tpu.memory_space<semaphore_mem>>
      %dma_start3A_78 = arith.constant 0 : i32
      %dma_start3A_79 = tpu.memref_slice %arg7[%run_scoped3A_71, %dma_start3A_78] : memref<40x128xi32, #tpu.memory_space<vmem>> -> memref<1x128xi32, #tpu.memory_space<vmem>>
      %dma_start3A_80 = tpu.memref_squeeze %dma_start3A_79 : memref<1x128xi32, #tpu.memory_space<vmem>> -> memref<128xi32, #tpu.memory_space<vmem>>
      %dma_start3A_81 = arith.constant 0 : i32
      %dma_start3A_82 = arith.constant 0 : i32
      %dma_start3A_83 = tpu.memref_slice %arg10[%dma_start3A_81, %dma_start3A_82] : memref<10112x128xf32, #tpu.memory_space<vmem_shared>> -> memref<10112x128xf32, #tpu.memory_space<vmem_shared>>
      tpu.enqueue_indirect_dma source(%arg9 : memref<128x128xf32, #tpu.memory_space<vmem>>) target(%dma_start3A_83 : memref<10112x128xf32, #tpu.memory_space<vmem_shared>>) offsets(%dma_start3A_80 : memref<128xi32, #tpu.memory_space<vmem>>) semaphore(%run_scoped3A_77 : memref<!tpu.dma_semaphore, #tpu.memory_space<semaphore_mem>>) {add = true}
      %dma_wait3A_84 = arith.constant 0 : i32
      %dma_wait3A_85 = tpu.memref_slice %arg7[%run_scoped3A_71, %dma_wait3A_84] : memref<40x128xi32, #tpu.memory_space<vmem>> -> memref<1x128xi32, #tpu.memory_space<vmem>>
      %dma_wait3A_86 = tpu.memref_squeeze %dma_wait3A_85 : memref<1x128xi32, #tpu.memory_space<vmem>> -> memref<128xi32, #tpu.memory_space<vmem>>
      %dma_wait3A_87 = arith.constant 0 : i32
      %dma_wait3A_88 = arith.constant 0 : i32
      %dma_wait3A_89 = tpu.memref_slice %arg10[%dma_wait3A_87, %dma_wait3A_88] : memref<10112x128xf32, #tpu.memory_space<vmem_shared>> -> memref<10112x128xf32, #tpu.memory_space<vmem_shared>>
      tpu.wait_indirect_dma semaphore(%run_scoped3A_77 : memref<!tpu.dma_semaphore, #tpu.memory_space<semaphore_mem>>) src(%arg9 : memref<128x128xf32, #tpu.memory_space<vmem>>) dst(%dma_wait3A_89 : memref<10112x128xf32, #tpu.memory_space<vmem_shared>>)
      tpu.yield
    }) : () -> ()
    %barrier3A_72 = arith.constant 0 : index
    tpu.barrier barrier_id(%barrier3A_72)
    %mul3A_73 = arith.constant 624 : i32
    %mul3A_74 = arith.muli %arg1, %mul3A_73 : i32
    "tpu.region"() ({
      %run_scoped3A_77 = tpu.sem_alloc : memref<!tpu.dma_semaphore, #tpu.memory_space<semaphore_mem>>
      %dma_start3A_78 = arith.constant 0 : i32
      %dma_start3A_79 = tpu.memref_slice %arg5[%arg0, %mul3A_74, %dma_start3A_78] : memref<2x10000x128xf32, #tpu.memory_space<hbm>> -> memref<1x624x128xf32, #tpu.memory_space<hbm>>
      %dma_start3A_80 = tpu.memref_squeeze %dma_start3A_79 : memref<1x624x128xf32, #tpu.memory_space<hbm>> -> memref<624x128xf32, #tpu.memory_space<hbm>>
      %dma_start3A_81 = arith.constant 0 : i32
      %dma_start3A_82 = tpu.memref_slice %arg10[%mul3A_74, %dma_start3A_81] : memref<10112x128xf32, #tpu.memory_space<vmem_shared>> -> memref<624x128xf32, #tpu.memory_space<vmem_shared>>
      tpu.enqueue_dma source(%dma_start3A_82 : memref<624x128xf32, #tpu.memory_space<vmem_shared>>) target(%dma_start3A_80 : memref<624x128xf32, #tpu.memory_space<hbm>>) target_semaphore(%run_scoped3A_77 : memref<!tpu.dma_semaphore, #tpu.memory_space<semaphore_mem>>)
      %dma_wait3A_83 = arith.constant 0 : i32
      %dma_wait3A_84 = tpu.memref_slice %arg5[%arg0, %mul3A_74, %dma_wait3A_83] : memref<2x10000x128xf32, #tpu.memory_space<hbm>> -> memref<1x624x128xf32, #tpu.memory_space<hbm>>
      %dma_wait3A_85 = tpu.memref_squeeze %dma_wait3A_84 : memref<1x624x128xf32, #tpu.memory_space<hbm>> -> memref<624x128xf32, #tpu.memory_space<hbm>>
      %dma_wait3A_86 = arith.constant 0 : i32
      %dma_wait3A_87 = tpu.memref_slice %arg10[%mul3A_74, %dma_wait3A_86] : memref<10112x128xf32, #tpu.memory_space<vmem_shared>> -> memref<624x128xf32, #tpu.memory_space<vmem_shared>>
      tpu.wait_dma2 semaphore(%run_scoped3A_77 : memref<!tpu.dma_semaphore, #tpu.memory_space<semaphore_mem>>) src(%dma_wait3A_87 : memref<624x128xf32, #tpu.memory_space<vmem_shared>>) dst(%dma_wait3A_85 : memref<624x128xf32, #tpu.memory_space<hbm>>)
      tpu.yield
    }) : () -> ()
    %eq3A = arith.constant 0 : i32
    %eq3A_75 = arith.cmpi eq, %arg1, %eq3A : i32
    %convert_element_type3A = arith.extui %eq3A_75 : i1 to i32
    %cond3A = arith.constant 0 : i32
    %cond3A_76 = arith.cmpi ne, %convert_element_type3A, %cond3A : i32
    scf.if %cond3A_76 {
      "tpu.region"() ({
        %run_scoped3A_77 = tpu.sem_alloc : memref<!tpu.dma_semaphore, #tpu.memory_space<semaphore_mem>>
        %dma_start3A_78 = arith.constant 9984 : i32
        %dma_start3A_79 = arith.constant 0 : i32
        %dma_start3A_80 = tpu.memref_slice %arg5[%arg0, %dma_start3A_78, %dma_start3A_79] : memref<2x10000x128xf32, #tpu.memory_space<hbm>> -> memref<1x16x128xf32, #tpu.memory_space<hbm>>
        %dma_start3A_81 = tpu.memref_squeeze %dma_start3A_80 : memref<1x16x128xf32, #tpu.memory_space<hbm>> -> memref<16x128xf32, #tpu.memory_space<hbm>>
        %dma_start3A_82 = arith.constant 9984 : i32
        %dma_start3A_83 = arith.constant 0 : i32
        %dma_start3A_84 = tpu.memref_slice %arg10[%dma_start3A_82, %dma_start3A_83] : memref<10112x128xf32, #tpu.memory_space<vmem_shared>> -> memref<16x128xf32, #tpu.memory_space<vmem_shared>>
        tpu.enqueue_dma source(%dma_start3A_84 : memref<16x128xf32, #tpu.memory_space<vmem_shared>>) target(%dma_start3A_81 : memref<16x128xf32, #tpu.memory_space<hbm>>) target_semaphore(%run_scoped3A_77 : memref<!tpu.dma_semaphore, #tpu.memory_space<semaphore_mem>>)
        %dma_wait3A_85 = arith.constant 9984 : i32
        %dma_wait3A_86 = arith.constant 0 : i32
        %dma_wait3A_87 = tpu.memref_slice %arg5[%arg0, %dma_wait3A_85, %dma_wait3A_86] : memref<2x10000x128xf32, #tpu.memory_space<hbm>> -> memref<1x16x128xf32, #tpu.memory_space<hbm>>
        %dma_wait3A_88 = tpu.memref_squeeze %dma_wait3A_87 : memref<1x16x128xf32, #tpu.memory_space<hbm>> -> memref<16x128xf32, #tpu.memory_space<hbm>>
        %dma_wait3A_89 = arith.constant 9984 : i32
        %dma_wait3A_90 = arith.constant 0 : i32
        %dma_wait3A_91 = tpu.memref_slice %arg10[%dma_wait3A_89, %dma_wait3A_90] : memref<10112x128xf32, #tpu.memory_space<vmem_shared>> -> memref<16x128xf32, #tpu.memory_space<vmem_shared>>
        tpu.wait_dma2 semaphore(%run_scoped3A_77 : memref<!tpu.dma_semaphore, #tpu.memory_space<semaphore_mem>>) src(%dma_wait3A_91 : memref<16x128xf32, #tpu.memory_space<vmem_shared>>) dst(%dma_wait3A_88 : memref<16x128xf32, #tpu.memory_space<hbm>>)
        tpu.yield
      }) : () -> ()
    } else {
    }
    return
  }
}

module attributes {stable_mosaic.version = 14 : i64} {
  func.func @_mm_body(%arg0: i32, %arg1: memref<1000x256xf32, #tpu.memory_space<vmem>>, %arg2: memref<256x256xf32, #tpu.memory_space<vmem>>, %arg3: memref<1000x2xf32, #tpu.memory_space<vmem>>, %arg4: memref<2x1000x128xf32, #tpu.memory_space<vmem>>, %arg5: memref<1000x1xf32, #tpu.memory_space<vmem>>) attributes {dimension_semantics = [#tpu.dimension_semantics<arbitrary>], iteration_bounds = array<i64: 10>, scalar_prefetch = 0 : i64, scratch_operands = 0 : i64, tpu.core_type = #tpu.core_type<tc>, window_params = [{transform_indices = @transform_0, window_bounds = array<i64: 1000, 256>}, {pipeline_mode = #tpu.pipeline_mode<synchronous>, transform_indices = @transform_1, window_bounds = array<i64: 256, 256>}, {transform_indices = @transform_2, window_bounds = array<i64: 1000, 2>}, {transform_indices = @transform_3, window_bounds = array<i64: 2, 1000, 128>}, {transform_indices = @transform_4, window_bounds = array<i64: 1000, 1>}]} {
    %get3A = arith.constant 0 : index
    %get3A_0 = arith.constant 0 : index
    %get3A_1 = vector.load %arg1[%get3A, %get3A_0] : memref<1000x256xf32, #tpu.memory_space<vmem>>, vector<1000x256xf32>
    %get3A_2 = arith.constant 0 : index
    %get3A_3 = arith.constant 0 : index
    %get3A_4 = vector.load %arg2[%get3A_2, %get3A_3] : memref<256x256xf32, #tpu.memory_space<vmem>>, vector<256x256xf32>
    %dot_general3A = arith.constant dense<0.000000e+00> : vector<1000x256xf32>
    %dot_general3A_5 = tpu.matmul %get3A_1, %get3A_4, %dot_general3A {dimension_numbers = #tpu.dot_dimension_numbers<[1], [0], [0], [1], [0, 0, 1, 1], [], []>, transpose_lhs_hint = false} : vector<1000x256xf32>, vector<256x256xf32>, vector<1000x256xf32> -> vector<1000x256xf32>
    %get3A_6 = arith.constant 0 : index
    %get3A_7 = arith.constant 0 : index
    %get3A_8 = vector.load %arg3[%get3A_6, %get3A_7] : memref<1000x2xf32, #tpu.memory_space<vmem>>, vector<1000x1xf32>
    %get3A_9 = arith.constant 0 : index
    %get3A_10 = arith.constant 1 : index
    %get3A_11 = vector.load %arg3[%get3A_9, %get3A_10] : memref<1000x2xf32, #tpu.memory_space<vmem>>, vector<1000x1xf32>
    %add3A = arith.addf %get3A_8, %get3A_11 : vector<1000x1xf32>
    %add3A_12 = arith.constant 1.000000e+00 : f32
    %add3A_13 = vector.broadcast %add3A_12 : f32 to vector<1000x1xf32>
    %add3A_14 = arith.addf %add3A, %add3A_13 : vector<1000x1xf32>
    %rsqrt3A = math.rsqrt %add3A_14 : vector<1000x1xf32>
    %slice3A = vector.extract_strided_slice %dot_general3A_5 {offsets = [0, 0], sizes = [1000, 128], strides = [1, 1]} : vector<1000x256xf32> to vector<1000x128xf32>
    %mul3A = vector.broadcast %rsqrt3A : vector<1000x1xf32> to vector<1000x128xf32>
    %mul3A_15 = arith.mulf %slice3A, %mul3A : vector<1000x128xf32>
    %swap3A = arith.constant 0 : index
    %swap3A_16 = arith.constant 0 : index
    %swap3A_17 = arith.constant 0 : index
    %swap3A_18 = vector.load %arg4[%swap3A, %swap3A_16, %swap3A_17] : memref<2x1000x128xf32, #tpu.memory_space<vmem>>, vector<1x1000x128xf32>
    %swap3A_19 = vector.shape_cast %swap3A_18 : vector<1x1000x128xf32> to vector<1000x128xf32>
    %swap3A_20 = vector.shape_cast %mul3A_15 : vector<1000x128xf32> to vector<1x1000x128xf32>
    tpu.vector_store %arg4[%swap3A, %swap3A_16, %swap3A_17], %swap3A_20 {strides = array<i32>} : memref<2x1000x128xf32, #tpu.memory_space<vmem>>, vector<1x1000x128xf32>,
    %slice3A_21 = vector.extract_strided_slice %dot_general3A_5 {offsets = [0, 128], sizes = [1000, 128], strides = [1, 1]} : vector<1000x256xf32> to vector<1000x128xf32>
    %mul3A_22 = vector.broadcast %rsqrt3A : vector<1000x1xf32> to vector<1000x128xf32>
    %mul3A_23 = arith.mulf %slice3A_21, %mul3A_22 : vector<1000x128xf32>
    %swap3A_24 = arith.constant 1 : index
    %swap3A_25 = arith.constant 0 : index
    %swap3A_26 = arith.constant 0 : index
    %swap3A_27 = vector.load %arg4[%swap3A_24, %swap3A_25, %swap3A_26] : memref<2x1000x128xf32, #tpu.memory_space<vmem>>, vector<1x1000x128xf32>
    %swap3A_28 = vector.shape_cast %swap3A_27 : vector<1x1000x128xf32> to vector<1000x128xf32>
    %swap3A_29 = vector.shape_cast %mul3A_23 : vector<1000x128xf32> to vector<1x1000x128xf32>
    tpu.vector_store %arg4[%swap3A_24, %swap3A_25, %swap3A_26], %swap3A_29 {strides = array<i32>} : memref<2x1000x128xf32, #tpu.memory_space<vmem>>, vector<1x1000x128xf32>,
    %swap3A_30 = arith.constant 0 : index
    %swap3A_31 = arith.constant 0 : index
    %swap3A_32 = vector.load %arg5[%swap3A_30, %swap3A_31] : memref<1000x1xf32, #tpu.memory_space<vmem>>, vector<1000x1xf32>
    tpu.vector_store %arg5[%swap3A_30, %swap3A_31], %rsqrt3A {strides = array<i32>} : memref<1000x1xf32, #tpu.memory_space<vmem>>, vector<1000x1xf32>,
    return
  }
  func.func @transform_0(%arg0: i32) -> (i32, i32) {
    %c0_i32 = arith.constant 0 : i32
    %c0_i32_0 = arith.constant 0 : i32
    return %arg0, %c0_i32 : i32, i32
  }
  func.func @transform_1(%arg0: i32) -> (i32, i32) {
    %c0_i32 = arith.constant 0 : i32
    %c0_i32_0 = arith.constant 0 : i32
    %c0_i32_1 = arith.constant 0 : i32
    return %c0_i32, %c0_i32_0 : i32, i32
  }
  func.func @transform_2(%arg0: i32) -> (i32, i32) {
    %c0_i32 = arith.constant 0 : i32
    %c0_i32_0 = arith.constant 0 : i32
    return %arg0, %c0_i32 : i32, i32
  }
  func.func @transform_3(%arg0: i32) -> (i32, i32, i32) {
    %c0_i32 = arith.constant 0 : i32
    %c0_i32_0 = arith.constant 0 : i32
    %c0_i32_1 = arith.constant 0 : i32
    return %c0_i32, %arg0, %c0_i32_0 : i32, i32, i32
  }
  func.func @transform_4(%arg0: i32) -> (i32, i32) {
    %c0_i32 = arith.constant 0 : i32
    %c0_i32_0 = arith.constant 0 : i32
    return %arg0, %c0_i32 : i32, i32
  }
}

module attributes {stable_mosaic.version = 14 : i64} {
  func.func @_fin_body(%arg0: i32, %arg1: memref<2x1000x128xf32, #tpu.memory_space<vmem>>, %arg2: memref<2x1000x128xf32, #tpu.memory_space<vmem>>, %arg3: memref<1000x1xf32, #tpu.memory_space<vmem>>, %arg4: memref<2x128xf32, #tpu.memory_space<vmem>>, %arg5: memref<256x2xf32, #tpu.memory_space<vmem>>, %arg6: memref<1x2xf32, #tpu.memory_space<vmem>>, %arg7: memref<1x2xf32, #tpu.memory_space<vmem>>, %arg8: memref<2x128xf32, #tpu.memory_space<vmem>>) attributes {dimension_semantics = [#tpu.dimension_semantics<arbitrary>], iteration_bounds = array<i64: 10>, scalar_prefetch = 0 : i64, scratch_operands = 1 : i64, tpu.core_type = #tpu.core_type<tc>, window_params = [{transform_indices = @transform_0, window_bounds = array<i64: 2, 1000, 128>}, {transform_indices = @transform_1, window_bounds = array<i64: 2, 1000, 128>}, {transform_indices = @transform_2, window_bounds = array<i64: 1000, 1>}, {pipeline_mode = #tpu.pipeline_mode<synchronous>, transform_indices = @transform_3, window_bounds = array<i64: 2, 128>}, {pipeline_mode = #tpu.pipeline_mode<synchronous>, transform_indices = @transform_4, window_bounds = array<i64: 256, 2>}, {pipeline_mode = #tpu.pipeline_mode<synchronous>, transform_indices = @transform_5, window_bounds = array<i64: 1, 2>}, {pipeline_mode = #tpu.pipeline_mode<synchronous>, transform_indices = @transform_6, window_bounds = array<i64: 1, 2>}]} {
    %get3A = arith.constant 0 : index
    %get3A_0 = arith.constant 0 : index
    %get3A_1 = vector.load %arg3[%get3A, %get3A_0] : memref<1000x1xf32, #tpu.memory_space<vmem>>, vector<1000x1xf32>
    %get3A_2 = arith.constant 0 : index
    %get3A_3 = arith.constant 0 : index
    %get3A_4 = arith.constant 0 : index
    %get3A_5 = vector.load %arg1[%get3A_2, %get3A_3, %get3A_4] : memref<2x1000x128xf32, #tpu.memory_space<vmem>>, vector<1x1000x128xf32>
    %get3A_6 = vector.shape_cast %get3A_5 : vector<1x1000x128xf32> to vector<1000x128xf32>
    %get3A_7 = arith.constant 0 : index
    %get3A_8 = arith.constant 0 : index
    %get3A_9 = arith.constant 0 : index
    %get3A_10 = vector.load %arg2[%get3A_7, %get3A_8, %get3A_9] : memref<2x1000x128xf32, #tpu.memory_space<vmem>>, vector<1x1000x128xf32>
    %get3A_11 = vector.shape_cast %get3A_10 : vector<1x1000x128xf32> to vector<1000x128xf32>
    %add3A = arith.addf %get3A_6, %get3A_11 : vector<1000x128xf32>
    %mul3A = vector.broadcast %get3A_1 : vector<1000x1xf32> to vector<1000x128xf32>
    %mul3A_12 = arith.mulf %mul3A, %add3A : vector<1000x128xf32>
    %get3A_13 = arith.constant 0 : index
    %get3A_14 = arith.constant 0 : index
    %get3A_15 = vector.load %arg4[%get3A_13, %get3A_14] : memref<2x128xf32, #tpu.memory_space<vmem>>, vector<1x128xf32>
    %add3A_16 = vector.broadcast %get3A_15 : vector<1x128xf32> to vector<1000x128xf32>
    %add3A_17 = arith.addf %mul3A_12, %add3A_16 : vector<1000x128xf32>
    %max3A = arith.constant 0.000000e+00 : f32
    %max3A_18 = vector.broadcast %max3A : f32 to vector<1000x128xf32>
    %max3A_19 = arith.maximumf %add3A_17, %max3A_18 : vector<1000x128xf32>
    %get3A_20 = arith.constant 1 : index
    %get3A_21 = arith.constant 0 : index
    %get3A_22 = arith.constant 0 : index
    %get3A_23 = vector.load %arg1[%get3A_20, %get3A_21, %get3A_22] : memref<2x1000x128xf32, #tpu.memory_space<vmem>>, vector<1x1000x128xf32>
    %get3A_24 = vector.shape_cast %get3A_23 : vector<1x1000x128xf32> to vector<1000x128xf32>
    %get3A_25 = arith.constant 1 : index
    %get3A_26 = arith.constant 0 : index
    %get3A_27 = arith.constant 0 : index
    %get3A_28 = vector.load %arg2[%get3A_25, %get3A_26, %get3A_27] : memref<2x1000x128xf32, #tpu.memory_space<vmem>>, vector<1x1000x128xf32>
    %get3A_29 = vector.shape_cast %get3A_28 : vector<1x1000x128xf32> to vector<1000x128xf32>
    %add3A_30 = arith.addf %get3A_24, %get3A_29 : vector<1000x128xf32>
    %mul3A_31 = vector.broadcast %get3A_1 : vector<1000x1xf32> to vector<1000x128xf32>
    %mul3A_32 = arith.mulf %mul3A_31, %add3A_30 : vector<1000x128xf32>
    %get3A_33 = arith.constant 1 : index
    %get3A_34 = arith.constant 0 : index
    %get3A_35 = vector.load %arg4[%get3A_33, %get3A_34] : memref<2x128xf32, #tpu.memory_space<vmem>>, vector<1x128xf32>
    %add3A_36 = vector.broadcast %get3A_35 : vector<1x128xf32> to vector<1000x128xf32>
    %add3A_37 = arith.addf %mul3A_32, %add3A_36 : vector<1000x128xf32>
    %max3A_38 = arith.constant 0.000000e+00 : f32
    %max3A_39 = vector.broadcast %max3A_38 : f32 to vector<1000x128xf32>
    %max3A_40 = arith.maximumf %add3A_37, %max3A_39 : vector<1000x128xf32>
    %reduce_sum3A = arith.constant dense<0.000000e+00> : vector<128xf32>
    %reduce_sum3A_41 = vector.multi_reduction <add>, %max3A_19, %reduce_sum3A [0] : vector<1000x128xf32> to vector<128xf32>
    %broadcast_in_dim3A = vector.shape_cast %reduce_sum3A_41 : vector<128xf32> to vector<1x128xf32>
    %reduce_sum3A_42 = arith.constant dense<0.000000e+00> : vector<128xf32>
    %reduce_sum3A_43 = vector.multi_reduction <add>, %max3A_40, %reduce_sum3A_42 [0] : vector<1000x128xf32> to vector<128xf32>
    %broadcast_in_dim3A_44 = vector.shape_cast %reduce_sum3A_43 : vector<128xf32> to vector<1x128xf32>
    %eq3A = arith.constant 0 : i32
    %eq3A_45 = arith.cmpi eq, %arg0, %eq3A : i32
    %convert_element_type3A = arith.extui %eq3A_45 : i1 to i32
    %cond3A = arith.constant 0 : i32
    %cond3A_46 = arith.cmpi ne, %convert_element_type3A, %cond3A : i32
    scf.if %cond3A_46 {
      %swap3A = arith.constant 0 : index
      %swap3A_56 = arith.constant 0 : index
      %swap3A_57 = vector.load %arg8[%swap3A, %swap3A_56] : memref<2x128xf32, #tpu.memory_space<vmem>>, vector<1x128xf32>
      tpu.vector_store %arg8[%swap3A, %swap3A_56], %broadcast_in_dim3A {strides = array<i32>} : memref<2x128xf32, #tpu.memory_space<vmem>>, vector<1x128xf32>,
      %swap3A_58 = arith.constant 1 : index
      %swap3A_59 = arith.constant 0 : index
      %swap3A_60 = vector.load %arg8[%swap3A_58, %swap3A_59] : memref<2x128xf32, #tpu.memory_space<vmem>>, vector<1x128xf32>
      tpu.vector_store %arg8[%swap3A_58, %swap3A_59], %broadcast_in_dim3A_44 {strides = array<i32>} : memref<2x128xf32, #tpu.memory_space<vmem>>, vector<1x128xf32>,
    } else {
    }
    %gt3A = arith.constant 0 : i32
    %gt3A_47 = arith.cmpi sgt, %arg0, %gt3A : i32
    %convert_element_type3A_48 = arith.extui %gt3A_47 : i1 to i32
    %cond3A_49 = arith.constant 0 : i32
    %cond3A_50 = arith.cmpi ne, %convert_element_type3A_48, %cond3A_49 : i32
    scf.if %cond3A_50 {
      %get3A_56 = arith.constant 0 : index
      %get3A_57 = arith.constant 0 : index
      %get3A_58 = vector.load %arg8[%get3A_56, %get3A_57] : memref<2x128xf32, #tpu.memory_space<vmem>>, vector<1x128xf32>
      %add3A_59 = arith.addf %get3A_58, %broadcast_in_dim3A : vector<1x128xf32>
      %swap3A = arith.constant 0 : index
      %swap3A_60 = arith.constant 0 : index
      %swap3A_61 = vector.load %arg8[%swap3A, %swap3A_60] : memref<2x128xf32, #tpu.memory_space<vmem>>, vector<1x128xf32>
      tpu.vector_store %arg8[%swap3A, %swap3A_60], %add3A_59 {strides = array<i32>} : memref<2x128xf32, #tpu.memory_space<vmem>>, vector<1x128xf32>,
      %get3A_62 = arith.constant 1 : index
      %get3A_63 = arith.constant 0 : index
      %get3A_64 = vector.load %arg8[%get3A_62, %get3A_63] : memref<2x128xf32, #tpu.memory_space<vmem>>, vector<1x128xf32>
      %add3A_65 = arith.addf %get3A_64, %broadcast_in_dim3A_44 : vector<1x128xf32>
      %swap3A_66 = arith.constant 1 : index
      %swap3A_67 = arith.constant 0 : index
      %swap3A_68 = vector.load %arg8[%swap3A_66, %swap3A_67] : memref<2x128xf32, #tpu.memory_space<vmem>>, vector<1x128xf32>
      tpu.vector_store %arg8[%swap3A_66, %swap3A_67], %add3A_65 {strides = array<i32>} : memref<2x128xf32, #tpu.memory_space<vmem>>, vector<1x128xf32>,
    } else {
    }
    %eq3A_51 = arith.constant 9 : i32
    %eq3A_52 = arith.cmpi eq, %arg0, %eq3A_51 : i32
    %convert_element_type3A_53 = arith.extui %eq3A_52 : i1 to i32
    %cond3A_54 = arith.constant 0 : i32
    %cond3A_55 = arith.cmpi ne, %convert_element_type3A_53, %cond3A_54 : i32
    scf.if %cond3A_55 {
      %get3A_56 = arith.constant 0 : index
      %get3A_57 = arith.constant 0 : index
      %get3A_58 = vector.load %arg8[%get3A_56, %get3A_57] : memref<2x128xf32, #tpu.memory_space<vmem>>, vector<2x128xf32>
      %mul3A_59 = arith.constant 9.99999974E-5 : f32
      %mul3A_60 = vector.broadcast %mul3A_59 : f32 to vector<2x128xf32>
      %mul3A_61 = arith.mulf %get3A_58, %mul3A_60 : vector<2x128xf32>
      %slice3A = vector.extract_strided_slice %mul3A_61 {offsets = [0, 0], sizes = [1, 128], strides = [1, 1]} : vector<2x128xf32> to vector<1x128xf32>
      %get3A_62 = arith.constant 0 : index
      %get3A_63 = arith.constant 0 : index
      %get3A_64 = vector.load %arg5[%get3A_62, %get3A_63] : memref<256x2xf32, #tpu.memory_space<vmem>>, vector<128x2xf32>
      %dot_general3A = arith.constant dense<0.000000e+00> : vector<1x2xf32>
      %dot_general3A_65 = tpu.matmul %slice3A, %get3A_64, %dot_general3A {dimension_numbers = #tpu.dot_dimension_numbers<[1], [0], [0], [1], [0, 0, 1, 1], [], []>, transpose_lhs_hint = false} : vector<1x128xf32>, vector<128x2xf32>, vector<1x2xf32> -> vector<1x2xf32>
      %slice3A_66 = vector.extract_strided_slice %mul3A_61 {offsets = [1, 0], sizes = [1, 128], strides = [1, 1]} : vector<2x128xf32> to vector<1x128xf32>
      %get3A_67 = arith.constant 128 : index
      %get3A_68 = arith.constant 0 : index
      %get3A_69 = vector.load %arg5[%get3A_67, %get3A_68] : memref<256x2xf32, #tpu.memory_space<vmem>>, vector<128x2xf32>
      %dot_general3A_70 = arith.constant dense<0.000000e+00> : vector<1x2xf32>
      %dot_general3A_71 = tpu.matmul %slice3A_66, %get3A_69, %dot_general3A_70 {dimension_numbers = #tpu.dot_dimension_numbers<[1], [0], [0], [1], [0, 0, 1, 1], [], []>, transpose_lhs_hint = false} : vector<1x128xf32>, vector<128x2xf32>, vector<1x2xf32> -> vector<1x2xf32>
      %add3A_72 = arith.addf %dot_general3A_65, %dot_general3A_71 : vector<1x2xf32>
      %get3A_73 = arith.constant 0 : index
      %get3A_74 = arith.constant 0 : index
      %get3A_75 = vector.load %arg6[%get3A_73, %get3A_74] : memref<1x2xf32, #tpu.memory_space<vmem>>, vector<1x2xf32>
      %add3A_76 = arith.addf %add3A_72, %get3A_75 : vector<1x2xf32>
      %reduce_max3A = arith.constant dense<0xFF800000> : vector<1xf32>
      %reduce_max3A_77 = vector.multi_reduction <maximumf>, %add3A_76, %reduce_max3A [1] : vector<1x2xf32> to vector<1xf32>
      %broadcast_in_dim3A_78 = vector.shape_cast %reduce_max3A_77 : vector<1xf32> to vector<1x1xf32>
      %sub3A = vector.broadcast %broadcast_in_dim3A_78 : vector<1x1xf32> to vector<1x2xf32>
      %sub3A_79 = arith.subf %add3A_76, %sub3A : vector<1x2xf32>
      %exp3A = math.exp %sub3A_79 : vector<1x2xf32>
      %reduce_sum3A_80 = arith.constant dense<0.000000e+00> : vector<1xf32>
      %reduce_sum3A_81 = vector.multi_reduction <add>, %exp3A, %reduce_sum3A_80 [1] : vector<1x2xf32> to vector<1xf32>
      %broadcast_in_dim3A_82 = vector.shape_cast %reduce_sum3A_81 : vector<1xf32> to vector<1x1xf32>
      %log3A = math.log %broadcast_in_dim3A_82 : vector<1x1xf32>
      %add3A_83 = arith.addf %broadcast_in_dim3A_78, %log3A : vector<1x1xf32>
      %sub3A_84 = vector.broadcast %add3A_83 : vector<1x1xf32> to vector<1x2xf32>
      %sub3A_85 = arith.subf %add3A_76, %sub3A_84 : vector<1x2xf32>
      %swap3A = arith.constant 0 : index
      %swap3A_86 = arith.constant 0 : index
      %swap3A_87 = vector.load %arg7[%swap3A, %swap3A_86] : memref<1x2xf32, #tpu.memory_space<vmem>>, vector<1x2xf32>
      tpu.vector_store %arg7[%swap3A, %swap3A_86], %sub3A_85 {strides = array<i32>} : memref<1x2xf32, #tpu.memory_space<vmem>>, vector<1x2xf32>,
    } else {
    }
    return
  }
  func.func @transform_0(%arg0: i32) -> (i32, i32, i32) {
    %c0_i32 = arith.constant 0 : i32
    %c0_i32_0 = arith.constant 0 : i32
    %c0_i32_1 = arith.constant 0 : i32
    return %c0_i32, %arg0, %c0_i32_0 : i32, i32, i32
  }
  func.func @transform_1(%arg0: i32) -> (i32, i32, i32) {
    %c0_i32 = arith.constant 0 : i32
    %c0_i32_0 = arith.constant 0 : i32
    %c0_i32_1 = arith.constant 0 : i32
    return %c0_i32, %arg0, %c0_i32_0 : i32, i32, i32
  }
  func.func @transform_2(%arg0: i32) -> (i32, i32) {
    %c0_i32 = arith.constant 0 : i32
    %c0_i32_0 = arith.constant 0 : i32
    return %arg0, %c0_i32 : i32, i32
  }
  func.func @transform_3(%arg0: i32) -> (i32, i32) {
    %c0_i32 = arith.constant 0 : i32
    %c0_i32_0 = arith.constant 0 : i32
    %c0_i32_1 = arith.constant 0 : i32
    return %c0_i32, %c0_i32_0 : i32, i32
  }
  func.func @transform_4(%arg0: i32) -> (i32, i32) {
    %c0_i32 = arith.constant 0 : i32
    %c0_i32_0 = arith.constant 0 : i32
    %c0_i32_1 = arith.constant 0 : i32
    return %c0_i32, %c0_i32_0 : i32, i32
  }
  func.func @transform_5(%arg0: i32) -> (i32, i32) {
    %c0_i32 = arith.constant 0 : i32
    %c0_i32_0 = arith.constant 0 : i32
    %c0_i32_1 = arith.constant 0 : i32
    return %c0_i32, %c0_i32_0 : i32, i32
  }
  func.func @transform_6(%arg0: i32) -> (i32, i32) {
    %c0_i32 = arith.constant 0 : i32
    %c0_i32_0 = arith.constant 0 : i32
    %c0_i32_1 = arith.constant 0 : i32
    return %c0_i32, %c0_i32_0 : i32, i32
  }
}

</mosaic_0001>

<sc_bundles>
// kernel: kernel.6.cloned.1.call-start
scs
__scs_entry_jumppad:
0x0: {  	(pc) =	sbr.rel $0x88, $3  }
0x1: {  	(tag) =	ssettag $0x0;
	lr =	simm.s32 $0x1  }
0x2: {  	[smem:$0x3F9B] =	sst lr;
	_ =	strace $0xD0000000  }
0x3: {  	_ = 	snop  }
0x4: {  	_ = 	snop  }
0x5: {  	_ = 	snop  }
0x6: {  	_ = 	snop  }
0x7: {  	_ = 	snop  }
__scs_overlays_trampoline_lowered:
0x8: {  	[smem:$0x3FAA] =	sst s0  }
0x9: {  	[smem:$0x3FAB] =	sst s1  }
0xa: {  	[smem:$0x3FAC] =	sst s2  }
0xb: {  	[smem:$0x3FAD] =	sst s3  }
0xc: {  	[smem:$0x3FAE] =	sst s4  }
0xd: {  	[smem:$0x3FAF] =	sst s5  }
0xe: {  	[smem:$0x3FB0] =	sst s6  }
0xf: {  	[smem:$0x3FB1] =	sst s7  }
0x10: {  	[smem:$0x3FB2] =	sst s8  }
0x11: {  	[smem:$0x3FB3] =	sst s9;
	s0 =	simm.s32 @!p0 $0x0  }
0x12: {  	s1 =	sld [smem:$0x3F99];
	s0 =	simm.s32 @p0 $0x1  }
0x13: {  	[smem:$0x3FB4] =	sst s0;
	s0 =	simm.s32 @!p1 $0x0  }
0x14: {  	s2 =	sld [smem:$0x3F98];
	s0 =	simm.s32 @p1 $0x1  }
0x15: {  	[smem:$0x3FB5] =	sst s0;
	s0 =	simm.s32 @!p2 $0x0  }
0x16: {  	s3 =	sld [smem:$0x3FDB];
	s0 =	simm.s32 @p2 $0x1  }
0x17: {  	s4 =	simm.s32 $0x1BF5;
	[smem:$0x3FB7] =	sst s0  }
0x18: {  	s0 =	sld [smem:$0x3F9A];
	_ =	swait.ge [sflag:s4], $0x0  }
0x19: {  	s7 =	sld [smem:$0x3F9B]  }
0x1a: {  	s8 =	sadd.s32 $0xFFFFE003, lr  }
0x1b: {  	s9 =	sadd.s32 $0xFFFFFEF7, lr;
	s5 =	simm.s32 $0xFFFFFFFF;
	p2 =	slt.u32 s8, $0xFFFFF086  }
0x1c: {  	p1 =	slt.u32 s9, $0xF7A;
	s5 =	simm.s32 @!p2 $0x0  }
0x1d: {  	s5 =	simm.s32 @p1 $0x1;
	p0 =	seq.s32 s7, s2  }
0x1e: {  	s7 =	smul.u32 @!p0 $0xF7A, s2;
	p2 =	seq.s32 @!p0 s5, $0x0  }
0x1f: {  	s9 =	smul.u32 $0xF7A, s1;
	s8 =	simm.s32 @!p0 $0x1BF5;
	p2 =	por !p2, p0  }
0x20: {  	[sflag:s8] =	ssyncset.s32 @!p0 $0xFFFFF086;
	s6 =	sadd.s32 @!p0 s3, s7;
	s7 =	simm.s32 @!p0 $0x108  }
0x21: {  	s3 =	sadd.s32 s3, s9;
	s6 =	sadd.s32 @!p0 $0x88, s6;
	s7 =	simm.s32 @p2 $0x1082  }
0x22: {  	[simem:s7], [sflag:s8] =	dma.local @!p0 [hbm:s6], $0xF7A  }
0x23: {  	s9 =	sor.u32 $0xD0000000, s2;
	s6 =	simm.s32 $0x108;
	_ =	swait.ge @!p0 [sflag:s8], $0x0  }
0x24: {  	s3 =	sadd.s32 $0x88, s3;
	s6 =	simm.s32 @!p1 $0x1082;
	[sflag:s4] =	ssyncset.s32 $0xFFFFF086  }
0x25: {  	[simem:s6], [sflag:s4] =	dma.local [hbm:s3], $0xF7A  }
0x26: {  	[smem:$0x3F9B] =	sst s1;
	(tag) =	ssettag s2;
	_ =	strace s9  }
0x27: {  	s1 =	sld [smem:$0x3FAB]  }
0x28: {  	s2 =	sld [smem:$0x3FAC]  }
0x29: {  	s4 =	sld [smem:$0x3FAE]  }
0x2a: {  	p0 =	seq.s32 s5, $0x0;
	s5 =	sld [smem:$0x3FAF]  }
0x2b: {  	s6 =	sld [smem:$0x3FB0]  }
0x2c: {  	s7 =	sld [smem:$0x3FB1]  }
0x2d: {  	s3 =	simm.s32 $0x108;
	s8 =	sld [smem:$0x3FB2]  }
0x2e: {  	s3 =	simm.s32 @!p0 $0x1082;
	s9 =	sld [smem:$0x3FB3]  }
0x2f: {  	lr =	sadd.s32 s0, s3;
	s0 =	sld [smem:$0x3FAA]  }
0x30: {  	s3 =	sld [smem:$0x3FAD]  }
0x31: {  	[smem:$0x3FB6] =	sst s10  }
0x32: {  	s10 =	sld [smem:$0x3FB4];
	_ =	sdelay $0x3  }
0x33: {  	p0 =	seq.s32 s10, $0x1;
	s10 =	sld [smem:$0x3FB6];
	_ =	sdelay $0x3  }
0x34: {  	[smem:$0x3FB6] =	sst s10  }
0x35: {  	s10 =	sld [smem:$0x3FB5];
	_ =	sdelay $0x3  }
0x36: {  	p1 =	seq.s32 s10, $0x1;
	s10 =	sld [smem:$0x3FB6];
	_ =	sdelay $0x3  }
0x37: {  	[smem:$0x3FB6] =	sst s10  }
0x38: {  	s10 =	sld [smem:$0x3FB7]  }
0x39: {  	_ = 	snop;
	(pc) =	sbr.ind lr, $3  }
0x3a: {  	_ = 	snop  }
0x3b: {  	_ = 	snop  }
0x3c: {  	p2 =	seq.s32 s10, $0x1;
	s10 =	sld [smem:$0x3FB6]  }
0x3d: {  	_ =	shalt  }
0x3e: {  	_ =	shalt  }
0x3f: {  	_ =	shalt  }
0x40: {  	_ =	shalt  }
0x41: {  	_ =	shalt  }
0x42: {  	_ =	shalt  }
0x43: {  	_ =	shalt  }
0x44: {  	_ =	shalt  }
0x45: {  	_ =	shalt  }
0x46: {  	_ =	shalt  }
0x47: {  	_ =	shalt  }
0x48: {  	_ =	shalt  }
0x49: {  	_ =	shalt  }
0x4a: {  	_ =	shalt  }
0x4b: {  	_ =	shalt  }
0x4c: {  	_ =	shalt  }
0x4d: {  	_ =	shalt  }
0x4e: {  	_ =	shalt  }
0x4f: {  	_ =	shalt  }
0x50: {  	_ =	shalt  }
0x51: {  	_ =	shalt  }
0x52: {  	_ =	shalt  }
0x53: {  	_ =	shalt  }
0x54: {  	_ =	shalt  }
0x55: {  	_ =	shalt  }
0x56: {  	_ =	shalt  }
0x57: {  	_ =	shalt  }
0x58: {  	_ =	shalt  }
0x59: {  	_ =	shalt  }
0x5a: {  	_ =	shalt  }
0x5b: {  	_ =	shalt  }
0x5c: {  	_ =	shalt  }
0x5d: {  	_ =	shalt  }
0x5e: {  	_ =	shalt  }
0x5f: {  	_ =	shalt  }
0x60: {  	_ =	shalt  }
0x61: {  	_ =	shalt  }
0x62: {  	_ =	shalt  }
0x63: {  	_ =	shalt  }
0x64: {  	_ =	shalt  }
0x65: {  	_ =	shalt  }
0x66: {  	_ =	shalt  }
0x67: {  	_ =	shalt  }
0x68: {  	_ =	shalt  }
0x69: {  	_ =	shalt  }
0x6a: {  	_ =	shalt  }
0x6b: {  	_ =	shalt  }
0x6c: {  	_ =	shalt  }
0x6d: {  	_ =	shalt  }
0x6e: {  	_ =	shalt  }
0x6f: {  	_ =	shalt  }
0x70: {  	_ =	shalt  }
0x71: {  	_ =	shalt  }
0x72: {  	_ =	shalt  }
0x73: {  	_ =	shalt  }
0x74: {  	_ =	shalt  }
0x75: {  	_ =	shalt  }
0x76: {  	_ =	shalt  }
0x77: {  	_ =	shalt  }
0x78: {  	_ =	shalt  }
0x79: {  	_ =	shalt  }
0x7a: {  	_ =	shalt  }
0x7b: {  	_ =	shalt  }
0x7c: {  	_ =	shalt  }
0x7d: {  	_ =	shalt  }
0x7e: {  	_ =	shalt  }
0x7f: {  	_ =	shalt  }
0x80: {  	_ =	shalt  }
0x81: {  	_ =	shalt  }
0x82: {  	_ =	shalt  }
0x83: {  	_ =	shalt  }
0x84: {  	_ =	shalt  }
0x85: {  	_ =	shalt  }
0x86: {  	_ =	shalt  }
0x87: {  	_ =	shalt  }
.Lfunc_end0:
.L_simem_size_0:
called_computation_lowered:
.L_overlay_start_0:
0x88: {  	s2 =	sld [smem:$0x3FD9]  }
0x89: {  	s3 =	sld [smem:$0x3FFE];
	_ =	sdelay $0x1  }
0x8a: {  	s1 =	srdreg.scid  }
0x8b: {  	s0 =	sand.u32 $0x1, s1  }
0x8c: {  	s16 =	sshll.u32 s0, $0xA;
	s2 =	sadd.s32 s3, s2  }
0x8d: {  	s2 =	sadd.s32 s2, s16  }
0x8e: {  	[smem:$0x3FC2] =	sst s2  }
0x8f: {  	_ = 	snop  }
0x90: {  	(tm) =	ssettm $0x1  }
0x91: {  	s17 =	sld [smem:$0x3FFB];
	_ =	sdelay $0x3  }
0x92: {  	_ =	strace s17  }
0x93: {  	s2 =	sld [smem:$0x3FFC];
	_ =	sdelay $0x3  }
0x94: {  	_ =	strace s2  }
0x95: {  	s2 =	sld [smem:$0x3FFD];
	_ =	sdelay $0x3  }
0x96: {  	_ =	strace s2  }
0x97: {  	_ =	strace $0x8FFFFFFF  }
0x98: {  	s18 =	sld [smem:$0x3FDB];
	_ =	sdelay $0x1  }
0x99: {  	s19 =	simm.s32 $_scs_section_size  }
0x9a: {  	s4 =	simm.s32 $_size__tile_overlayer_lowered;
	s5 =	simm.s32 $_tile_overlayer_lowered  }
0x9b: {  	s22 =	simm.s32 $0x1BFF;
	s21 =	sshll.u32 s5, $0x1;
	s2 =	sadd.s32 s19, s18  }
0x9c: {  	s6 =	simm.s32 $0x0;
	s20 =	sshll.u32 s4, $0x1;
	s4 =	sadd.s32 s21, s2  }
0x9d: {  	[timem:s6], [sflag:s22] =	dma.local [hbm:s4], s20  }
0x9e: {  	_ =	swait.ge [sflag:s22], s20  }
0x9f: {  	s3 =	ssub.s32 $0x0, s20;
	[sflag:s22] =	ssyncset.done $0x0  }
0xa0: {  	[sflag:s22] =	ssyncadd.s32 s3;
	_ =	sdelay $0x1  }
0xa1: {  	s23 =	simm.s32 $0x1B8B  }
0xa2: {  	_ =	swait.ge [sflag:s23], $0x1  }
0xa3: {  	[sflag:s23] =	ssyncset.done $0x0  }
0xa4: {  	s25 =	simm.s32 $0x1B8E;
	s24 =	sld [smem:$0x3FFE];
	[sflag:s23] =	ssyncadd.s32 $0xFFFFFFFF  }
0xa5: {  	s26 =	simm.s32 $execute0_lowered;
	[smem:$0x3FD2] =	sst s25  }
0xa6: {  	s4 =	sshll.u32 s26, $0x1;
	_ =	strace $0x80000046;
	[dreg:$0x1] =	wrdreg $0xFFFFFFFF  }
0xa7: {  	s28 =	simm.s32 $_size_execute0_lowered;
	s2 =	sadd.s32 s2, s4;
	[dreg:$0x0] =	wrdreg $0x0  }
0xa8: {  	s4 =	sshll.u32 s28, $0x1;
	[dreg:$0x2] =	wrdreg s2  }
0xa9: {  	[dreg:$0x3] =	wrdreg s4  }
0xaa: {  	[dreg:$0x4] =	wrdreg $0xC0  }
0xab: {  	_ =	task [dreg:s6], $0x5FFFF  }
0xac: {  	[dreg:$0x1] =	wrdreg $0xFFFFFFFF  }
0xad: {  	[dreg:$0x0] =	wrdreg $0x60  }
0xae: {  	[dreg:$0x2] =	wrdreg s24  }
0xaf: {  	[dreg:$0x3] =	wrdreg $0x16C000  }
0xb0: {  	[dreg:$0x4] =	wrdreg $0x9  }
0xb1: {  	_ =	task.clear_ibuf [dreg:s6], $0x5FFFF;
	_ =	strace $0x90000046  }
0xb2: {  	s29 =	simm.s32 $0x9;
	_ =	strace $0x80000048  }
0xb3: {  	_ =	swait.ge [sflag:s29], $0x1  }
0xb4: {  	[sflag:s29] =	ssyncadd.s32 $0xFFFFFFFF  }
0xb5: {  	_ =	strace $0x90000048  }
0xb6: {  	_ =	sfence  }
0xb7: {  	s30 =	sld [smem:$0x0];
	_ =	sdelay $0x2  }
0xb8: {  	s31 =	sshll.u32 s1, $0xD;
	s1 =	sshrl.u32 s1, $0x2  }
0xb9: {  	s3 =	sand.u32 $0x4000, s31;
	s1 =	sadd.s32 s1, s30  }
0xba: {  	s0 =	sor.u32 s3, s0;
	s1 =	sshll.u32 s1, $0x11  }
0xbb: {  	s0 =	sor.u32 s1, s0  }
0xbc: {  	s0 =	sadd.s32 $0x8F2B, s0  }
0xbd: {  	[sflag:s0] =	ssyncadd.remote.s32 $0x1  }
0xbe: {  	_ =	sfence.sel $0xFFFF  }
0xbf: {  	[dreg:$0x0] =	wrdreg $0xFFFFFFFF;
	(pc) =	sbr.abs _section_cstart, $3  }
0xc0: {  	[dreg:$0x1] =	wrdreg $0xFFFFFFFF  }
0xc1: {  	_ =	task.clear_ibuf [dreg:s6], $0x2FFFF;
	_ =	strace $0x9FFFFFFF  }
0xc2: {  	(tm) =	ssettm $0x7FFFFFFF  }
0xc3: {  	_ =	shalt  }
tec
execute0_lowered:
.L_overlay_start_1:
0x0: {  	(tag) =	ssettag $0x1  }
0x1: {  	s0 =	srdreg.scid;
	s6 =	rddreg [dreg:$0x0]  }
0x2: {  	s2 =	rddreg [dreg:$0x1];
	s3 =	simm.s32 $0x0;
	s11 =	simm.s32 $0x15400  }
0x3: {  	s12 =	simm.s32 $0x1400;
	s13 =	simm.s32 $0x80;
	s14 =	simm.s32 $0x15480  }
0x4: {  	s15 =	simm.s32 $0x5400;
	s16 =	simm.s32 $0x15500;
	s17 =	simm.s32 $0x9400  }
0x5: {  	s18 =	simm.s32 $0x15580;
	s19 =	simm.s32 $0xD400;
	s5 =	sand.u32 $0x1, s0  }
0x6: {  	s20 =	simm.s32 $0x15600;
	s0 =	stileid.u32;
	s7 =	smul.u32 $0x14000, s5  }
0x7: {  	s21 =	simm.s32 $0x11400;
	[smem:$0x7FF] =	sst s3;
	s8 =	smul.u32 $0x1400, s0  }
0x8: {  	s1 =	sshll.u32 s5, $0x4;
	s30 =	smul.u32 $0x5000, s0;
	s5 =	ssub.s32 $0x2, s5  }
0x9: {  	s22 =	sshll.u32 s0, $0x6;
	s1 =	sor.u32 s0, s1;
	s31 =	sshrl.u32 s5, $0x1  }
0xa: {  	s22 =	sor.u32 $0x1C01, s22;
	s4 =	smul.u32 $0x280, s1;
	s1 =	rddreg [dreg:$0x2]  }
0xb: {  	_ =	strace $0x80000047;
	s7 =	sadd.s32 s8, s7;
	s8 =	sshrl.u32 s30, $0x2  }
0xc: {  	s10 =	ssub.s32 s5, s31;
	s7 =	sshrl.u32 s7, $0x3;
	s5 =	sadd.s32 s8, s2  }
0xd: {  	s8 =	smax.u32 s10, $0x1;
	s10 =	simm.s32 $0x1;
	s9 =	sadd.s32 s4, s6  }
0xe: {  	s4 =	sadd.s32 $0x1200, s6;
	s7 =	sadd.s32 s7, s6;
	s23 =	sshrl.u32 s5, $0x3  }
0xf: {  	v0 =	vimm.f32 $0.0e+00;
	v1 =	vimm.f32 $1.000000000e+00;
	s6 =	sadd.s32 $0x1400, s9;
	s7 =	sadd.s32 $0xB400, s7;
	s9 =	simm.s32 $0x15800  }
.LBB2_1:
0x10: {  	s24 =	simm.s32 $0x200;
	s25 =	simm.s32 $0x0  }
.LBB2_2:
0x11: {  	p0 =	sne.s32 s24, $0x4FE00;
	[tilespmem:s25+$0x1400] =	vst v0;
	s25 =	smov.u32 s24;
	s24 =	sadd.s32 $0x200, s24  }
.Ltmp0:
0x12: {  	(pc) =	sbr.rel @p0 .LBB2_2-.Ltmp0, $2  }
0x13: {  	_ =	sdelay $0x2  }
0x14: {  	s25 =	sshra.s32 s25, $0x2  }
0x15: {  	[tilespmem:s25+$0x1400] =	vst v0  }
0x16: {  	[tilespmem:$0x15800] =	vst v0  }
0x17: {  	[tilespmem:$0x15880] =	vst v0  }
0x18: {  	[tilespmem:$0x15900] =	vst v0  }
0x19: {  	[tilespmem:$0x15980] =	vst v0  }
0x1a: {  	[tilespmem:$0x15A00] =	vst v0  }
0x1b: {  	[tilespmem:$0x15A80] =	vst v0  }
0x1c: {  	[tilespmem:$0x15B00] =	vst v0  }
0x1d: {  	[tilespmem:$0x15B80] =	vst v0  }
0x1e: {  	[tilespmem:$0x15C00] =	vst v0  }
0x1f: {  	[tilespmem:$0x15C80] =	vst v0  }
0x20: {  	[tilespmem:$0x15D00] =	vst v0  }
0x21: {  	[tilespmem:$0x15D80] =	vst v0  }
0x22: {  	[tilespmem:$0x15E00] =	vst v0  }
0x23: {  	[tilespmem:$0x15E80] =	vst v0  }
0x24: {  	[tilespmem:$0x15F00] =	vst v0  }
0x25: {  	[tilespmem:$0x15F80] =	vst v0  }
0x26: {  	[tilespmem:$0x16000] =	vst v0  }
0x27: {  	[tilespmem:$0x16080] =	vst v0  }
0x28: {  	[tilespmem:$0x16100] =	vst v0  }
0x29: {  	[tilespmem:$0x16180] =	vst v0  }
0x2a: {  	[tilespmem:$0x16200] =	vst v0  }
0x2b: {  	[tilespmem:$0x16280] =	vst v0  }
0x2c: {  	[tilespmem:$0x16300] =	vst v0  }
0x2d: {  	[tilespmem:$0x16380] =	vst v0  }
0x2e: {  	[tilespmem:$0x16400] =	vst v0  }
0x2f: {  	[tilespmem:$0x16480] =	vst v0  }
0x30: {  	[tilespmem:$0x16500] =	vst v0  }
0x31: {  	[tilespmem:$0x16580] =	vst v0  }
0x32: {  	[tilespmem:$0x16600] =	vst v0  }
0x33: {  	[tilespmem:$0x16680] =	vst v0  }
0x34: {  	[tilespmem:$0x16700] =	vst v0  }
0x35: {  	[tilespmem:$0x16780] =	vst v0  }
0x36: {  	[tilespmem:$0x16800] =	vst v0  }
0x37: {  	[tilespmem:$0x16880] =	vst v0  }
0x38: {  	[tilespmem:$0x16900] =	vst v0  }
0x39: {  	[tilespmem:$0x16980] =	vst v0  }
0x3a: {  	[tilespmem:$0x16A00] =	vst v0  }
0x3b: {  	[tilespmem:$0x16A80] =	vst v0  }
0x3c: {  	[tilespmem:$0x16B00] =	vst v0  }
0x3d: {  	[tilespmem:$0x16B80] =	vst v0  }
0x3e: {  	[spmem:s5] =	stream.linear.scatter [tilespmem:s9], [sflag:$0x1], $0x1400, $0x38;
	[tilespmem:$0x16E80] =	vst v63  }
0x3f: {  	_ =	swait.ge [sflag:s10], $0x1400  }
0x40: {  	[sflag:s10] =	ssyncset.done $0x0  }
0x41: {  	s24 =	simm.s32 $0x0;
	[sflag:s10] =	ssyncadd.s32 $0xFFFFEC00  }
0x42: {  	[tilespmem:s11], [sflag:$0x1] =	stream.linear.gather [hbm4b:s4+s24], $0x280, $0x38;
	[tilespmem:$0x16E80] =	vst v63  }
0x43: {  	_ =	swait.ge [sflag:s10], $0x280  }
0x44: {  	[sflag:s10] =	ssyncset.done $0x0  }
0x45: {  	[sflag:s10] =	ssyncadd.s32 $0xFFFFFD80  }
0x46: {  	[tilespmem:s24], [sflag:$0x1] =	stream.linear.gather [hbm4b:s6+s24], $0x1400, $0x38;
	[tilespmem:$0x16E80] =	vst v63  }
0x47: {  	_ =	swait.ge [sflag:s10], $0x1400  }
0x48: {  	[sflag:s10] =	ssyncset.done $0x0  }
0x49: {  	[sflag:s10] =	ssyncadd.s32 $0xFFFFEC00  }
0x4a: {  	s25 =	simm.s32 $0x0;
	s24 =	simm.s32 $0x40;
	[bflag:$0x0] =	sbarrier.arrive $0xFFFF  }
.LBB2_4:
0x4b: {  	p0 =	sne.s32 s24, $0x4FC0;
	v2 =	vld [tilespmem:s25+$0x0];
	_ =	sdelay $0x4  }
0x4c: {  	v3 =	vshll.u32 v2, $0x3  }
0x4d: {  	v2 =	vand.u32 $0xF, v2;
	v3 =	vand.u32 $0xFFFFFF80, v3  }
0x4e: {  	v2 =	vor.u32 v2, v3  }
.Ltmp1:
0x4f: {  	(pc) =	sbr.rel @p0 .LBB2_4-.Ltmp1, $2  }
0x50: {  	_ =	sdelay $0x2  }
0x51: {  	s25 =	sshra.s32 s24, $0x2;
	s24 =	sadd.s32 $0x40, s24;
	[tilespmem:v2+s12+$0x0] =	vst.idx.add.f32.msk $0xffff, v1  }
0x52: {  	v2 =	vld [tilespmem:s25+$0x0];
	_ =	sdelay $0x4  }
0x53: {  	v3 =	vshll.u32 v2, $0x3  }
0x54: {  	v2 =	vand.u32 $0xF, v2;
	v3 =	vand.u32 $0xFFFFFF80, v3  }
0x55: {  	v2 =	vor.u32 v2, v3;
	_ =	sdelay $0x4  }
0x56: {  	[tilespmem:v2+s12+$0x0] =	vst.idx.add.f32.msk $0xffff, v1  }
0x57: {  	[spmem:s2] =	stream.indirect.scatter.add.f32 [tilespmem:s12], [sflag:$0x1], $0x10, s11, s13, $0xb8;
	[tilespmem:$0x16E80] =	vst v63  }
0x58: {  	_ =	swait.ge [sflag:s10], $0x800  }
0x59: {  	[sflag:s10] =	ssyncset.done $0x0  }
0x5a: {  	[sflag:s10] =	ssyncadd.s32 $0xFFFFF800  }
0x5b: {  	[spmem:s2] =	stream.indirect.scatter.add.f32 [tilespmem:s15], [sflag:$0x1], $0x10, s14, s13, $0xb8;
	[tilespmem:$0x16E80] =	vst v63  }
0x5c: {  	_ =	swait.ge [sflag:s10], $0x800  }
0x5d: {  	[sflag:s10] =	ssyncset.done $0x0  }
0x5e: {  	[sflag:s10] =	ssyncadd.s32 $0xFFFFF800  }
0x5f: {  	[spmem:s2] =	stream.indirect.scatter.add.f32 [tilespmem:s17], [sflag:$0x1], $0x10, s16, s13, $0xb8;
	[tilespmem:$0x16E80] =	vst v63  }
0x60: {  	_ =	swait.ge [sflag:s10], $0x800  }
0x61: {  	[sflag:s10] =	ssyncset.done $0x0  }
0x62: {  	[sflag:s10] =	ssyncadd.s32 $0xFFFFF800  }
0x63: {  	[spmem:s2] =	stream.indirect.scatter.add.f32 [tilespmem:s19], [sflag:$0x1], $0x10, s18, s13, $0xb8;
	[tilespmem:$0x16E80] =	vst v63  }
0x64: {  	_ =	swait.ge [sflag:s10], $0x800  }
0x65: {  	[sflag:s10] =	ssyncset.done $0x0  }
0x66: {  	[sflag:s10] =	ssyncadd.s32 $0xFFFFF800  }
0x67: {  	[spmem:s2] =	stream.indirect.scatter.add.f32 [tilespmem:s21], [sflag:$0x1], $0x10, s20, s13, $0xb8;
	[tilespmem:$0x16E80] =	vst v63  }
0x68: {  	_ =	swait.ge [sflag:s10], $0x800  }
0x69: {  	s3 =	sadd.s32 $0x1, s3;
	[sflag:s10] =	ssyncset.done $0x0  }
0x6a: {  	p0 =	sne.s32 s3, s8;
	[sflag:s10] =	ssyncadd.s32 $0xFFFFF800  }
.Ltmp2:
0x6b: {  	[bflag:$0x0] =	sbarrier.arrive $0xFFFF;
	(pc) =	sbr.rel @p0 .LBB2_1-.Ltmp2, $4  }
0x6c: {  	[hbm:s7], [sflag:s22] =	dma.local [spmem:s23], $0x280  }
0x6d: {  	_ =	swait.ge [sflag:s10], $0x280  }
0x6e: {  	[sflag:s10] =	ssyncset.done $0x0  }
0x6f: {  	[sflag:s10] =	ssyncadd.s32 $0xFFFFFD80  }
0x70: {  	_ =	sfence.sel $0x180000  }
0x71: {  	[bflag:$0x0] =	sbarrier.arrive $0xFFFF  }
0x72: {  	p0 =	sne.s32 s0, $0x0;
	_ =	strace $0x90000047  }
0x73: {  	s0 =	sadd.s32 @!p0 $0x100000, s1;
	[bflag:$0x2] =	sbarrier.arrive $0xFFFF  }
0x74: {  	[sflag:s0] =	ssyncadd.tile.s32 @!p0 $0x1;
	_ =	shalt  }
.Lfunc_end2:
_tile_overlayer_lowered:
.L_overlay_start_2:
0x75: {  	(tag) =	ssettag $0x2  }
0x76: {  	s0 =	rddreg [dreg:$0x0];
	s2 =	stileid.u32  }
0x77: {  	s1 =	rddreg [dreg:$0x1];
	p0 =	sne.s32 s2, $0x0  }
0x78: {  	s3 =	rddreg [dreg:$0x2];
	[bflag:$0x3] =	sbarrier.arrive $0xFFFF;
	s2 =	simm.s32 @!p0 $0x1C01  }
0x79: {  	[timem:s3], [sflag:s2] =	dma.local @!p0 [hbm:s0], s1  }
0x7a: {  	s0 =	simm.s32 @!p0 $0x1  }
0x7b: {  	_ =	swait.ge @!p0 [sflag:s0], s1  }
0x7c: {  	s1 =	ssub.s32 @!p0 $0x0, s1;
	[sflag:s0] =	ssyncset.done @!p0 $0x0  }
0x7d: {  	[sflag:s0] =	ssyncadd.s32 @!p0 s1  }
0x7e: {  	[bflag:$0x3] =	sbarrier.arrive $0xFFFF  }
0x7f: {  	_ =	shalt  }

// kernel: kernel.9.cloned.1.call-start
scs
__scs_entry_jumppad:
0x0: {  	(pc) =	sbr.rel $0x88, $3  }
0x1: {  	(tag) =	ssettag $0x0;
	lr =	simm.s32 $0x1  }
0x2: {  	[smem:$0x3F9B] =	sst lr;
	_ =	strace $0xD0000000  }
0x3: {  	_ = 	snop  }
0x4: {  	_ = 	snop  }
0x5: {  	_ = 	snop  }
0x6: {  	_ = 	snop  }
0x7: {  	_ = 	snop  }
__scs_overlays_trampoline_lowered:
0x8: {  	[smem:$0x3FAA] =	sst s0  }
0x9: {  	[smem:$0x3FAB] =	sst s1  }
0xa: {  	[smem:$0x3FAC] =	sst s2  }
0xb: {  	[smem:$0x3FAD] =	sst s3  }
0xc: {  	[smem:$0x3FAE] =	sst s4  }
0xd: {  	[smem:$0x3FAF] =	sst s5  }
0xe: {  	[smem:$0x3FB0] =	sst s6  }
0xf: {  	[smem:$0x3FB1] =	sst s7  }
0x10: {  	[smem:$0x3FB2] =	sst s8  }
0x11: {  	[smem:$0x3FB3] =	sst s9;
	s0 =	simm.s32 @!p0 $0x0  }
0x12: {  	s1 =	sld [smem:$0x3F99];
	s0 =	simm.s32 @p0 $0x1  }
0x13: {  	[smem:$0x3FB4] =	sst s0;
	s0 =	simm.s32 @!p1 $0x0  }
0x14: {  	s2 =	sld [smem:$0x3F98];
	s0 =	simm.s32 @p1 $0x1  }
0x15: {  	[smem:$0x3FB5] =	sst s0;
	s0 =	simm.s32 @!p2 $0x0  }
0x16: {  	s3 =	sld [smem:$0x3FDB];
	s0 =	simm.s32 @p2 $0x1  }
0x17: {  	s4 =	simm.s32 $0x1BF5;
	[smem:$0x3FB7] =	sst s0  }
0x18: {  	s0 =	sld [smem:$0x3F9A];
	_ =	swait.ge [sflag:s4], $0x0  }
0x19: {  	s7 =	sld [smem:$0x3F9B]  }
0x1a: {  	s8 =	sadd.s32 $0xFFFFE003, lr  }
0x1b: {  	s9 =	sadd.s32 $0xFFFFFEF7, lr;
	s5 =	simm.s32 $0xFFFFFFFF;
	p2 =	slt.u32 s8, $0xFFFFF086  }
0x1c: {  	p1 =	slt.u32 s9, $0xF7A;
	s5 =	simm.s32 @!p2 $0x0  }
0x1d: {  	s5 =	simm.s32 @p1 $0x1;
	p0 =	seq.s32 s7, s2  }
0x1e: {  	s7 =	smul.u32 @!p0 $0xF7A, s2;
	p2 =	seq.s32 @!p0 s5, $0x0  }
0x1f: {  	s9 =	smul.u32 $0xF7A, s1;
	s8 =	simm.s32 @!p0 $0x1BF5;
	p2 =	por !p2, p0  }
0x20: {  	[sflag:s8] =	ssyncset.s32 @!p0 $0xFFFFF086;
	s6 =	sadd.s32 @!p0 s3, s7;
	s7 =	simm.s32 @!p0 $0x108  }
0x21: {  	s3 =	sadd.s32 s3, s9;
	s6 =	sadd.s32 @!p0 $0x88, s6;
	s7 =	simm.s32 @p2 $0x1082  }
0x22: {  	[simem:s7], [sflag:s8] =	dma.local @!p0 [hbm:s6], $0xF7A  }
0x23: {  	s9 =	sor.u32 $0xD0000000, s2;
	s6 =	simm.s32 $0x108;
	_ =	swait.ge @!p0 [sflag:s8], $0x0  }
0x24: {  	s3 =	sadd.s32 $0x88, s3;
	s6 =	simm.s32 @!p1 $0x1082;
	[sflag:s4] =	ssyncset.s32 $0xFFFFF086  }
0x25: {  	[simem:s6], [sflag:s4] =	dma.local [hbm:s3], $0xF7A  }
0x26: {  	[smem:$0x3F9B] =	sst s1;
	(tag) =	ssettag s2;
	_ =	strace s9  }
0x27: {  	s1 =	sld [smem:$0x3FAB]  }
0x28: {  	s2 =	sld [smem:$0x3FAC]  }
0x29: {  	s4 =	sld [smem:$0x3FAE]  }
0x2a: {  	p0 =	seq.s32 s5, $0x0;
	s5 =	sld [smem:$0x3FAF]  }
0x2b: {  	s6 =	sld [smem:$0x3FB0]  }
0x2c: {  	s7 =	sld [smem:$0x3FB1]  }
0x2d: {  	s3 =	simm.s32 $0x108;
	s8 =	sld [smem:$0x3FB2]  }
0x2e: {  	s3 =	simm.s32 @!p0 $0x1082;
	s9 =	sld [smem:$0x3FB3]  }
0x2f: {  	lr =	sadd.s32 s0, s3;
	s0 =	sld [smem:$0x3FAA]  }
0x30: {  	s3 =	sld [smem:$0x3FAD]  }
0x31: {  	[smem:$0x3FB6] =	sst s10  }
0x32: {  	s10 =	sld [smem:$0x3FB4];
	_ =	sdelay $0x3  }
0x33: {  	p0 =	seq.s32 s10, $0x1;
	s10 =	sld [smem:$0x3FB6];
	_ =	sdelay $0x3  }
0x34: {  	[smem:$0x3FB6] =	sst s10  }
0x35: {  	s10 =	sld [smem:$0x3FB5];
	_ =	sdelay $0x3  }
0x36: {  	p1 =	seq.s32 s10, $0x1;
	s10 =	sld [smem:$0x3FB6];
	_ =	sdelay $0x3  }
0x37: {  	[smem:$0x3FB6] =	sst s10  }
0x38: {  	s10 =	sld [smem:$0x3FB7]  }
0x39: {  	_ = 	snop;
	(pc) =	sbr.ind lr, $3  }
0x3a: {  	_ = 	snop  }
0x3b: {  	_ = 	snop  }
0x3c: {  	p2 =	seq.s32 s10, $0x1;
	s10 =	sld [smem:$0x3FB6]  }
0x3d: {  	_ =	shalt  }
0x3e: {  	_ =	shalt  }
0x3f: {  	_ =	shalt  }
0x40: {  	_ =	shalt  }
0x41: {  	_ =	shalt  }
0x42: {  	_ =	shalt  }
0x43: {  	_ =	shalt  }
0x44: {  	_ =	shalt  }
0x45: {  	_ =	shalt  }
0x46: {  	_ =	shalt  }
0x47: {  	_ =	shalt  }
0x48: {  	_ =	shalt  }
0x49: {  	_ =	shalt  }
0x4a: {  	_ =	shalt  }
0x4b: {  	_ =	shalt  }
0x4c: {  	_ =	shalt  }
0x4d: {  	_ =	shalt  }
0x4e: {  	_ =	shalt  }
0x4f: {  	_ =	shalt  }
0x50: {  	_ =	shalt  }
0x51: {  	_ =	shalt  }
0x52: {  	_ =	shalt  }
0x53: {  	_ =	shalt  }
0x54: {  	_ =	shalt  }
0x55: {  	_ =	shalt  }
0x56: {  	_ =	shalt  }
0x57: {  	_ =	shalt  }
0x58: {  	_ =	shalt  }
0x59: {  	_ =	shalt  }
0x5a: {  	_ =	shalt  }
0x5b: {  	_ =	shalt  }
0x5c: {  	_ =	shalt  }
0x5d: {  	_ =	shalt  }
0x5e: {  	_ =	shalt  }
0x5f: {  	_ =	shalt  }
0x60: {  	_ =	shalt  }
0x61: {  	_ =	shalt  }
0x62: {  	_ =	shalt  }
0x63: {  	_ =	shalt  }
0x64: {  	_ =	shalt  }
0x65: {  	_ =	shalt  }
0x66: {  	_ =	shalt  }
0x67: {  	_ =	shalt  }
0x68: {  	_ =	shalt  }
0x69: {  	_ =	shalt  }
0x6a: {  	_ =	shalt  }
0x6b: {  	_ =	shalt  }
0x6c: {  	_ =	shalt  }
0x6d: {  	_ =	shalt  }
0x6e: {  	_ =	shalt  }
0x6f: {  	_ =	shalt  }
0x70: {  	_ =	shalt  }
0x71: {  	_ =	shalt  }
0x72: {  	_ =	shalt  }
0x73: {  	_ =	shalt  }
0x74: {  	_ =	shalt  }
0x75: {  	_ =	shalt  }
0x76: {  	_ =	shalt  }
0x77: {  	_ =	shalt  }
0x78: {  	_ =	shalt  }
0x79: {  	_ =	shalt  }
0x7a: {  	_ =	shalt  }
0x7b: {  	_ =	shalt  }
0x7c: {  	_ =	shalt  }
0x7d: {  	_ =	shalt  }
0x7e: {  	_ =	shalt  }
0x7f: {  	_ =	shalt  }
0x80: {  	_ =	shalt  }
0x81: {  	_ =	shalt  }
0x82: {  	_ =	shalt  }
0x83: {  	_ =	shalt  }
0x84: {  	_ =	shalt  }
0x85: {  	_ =	shalt  }
0x86: {  	_ =	shalt  }
0x87: {  	_ =	shalt  }
.Lfunc_end0:
.L_simem_size_0:
called_computation.1_lowered:
.L_overlay_start_0:
0x88: {  	s2 =	sld [smem:$0x3FD9]  }
0x89: {  	s3 =	sld [smem:$0x3FFE];
	_ =	sdelay $0x1  }
0x8a: {  	s1 =	srdreg.scid  }
0x8b: {  	s0 =	sand.u32 $0x1, s1  }
0x8c: {  	s16 =	sshll.u32 s0, $0xA;
	s2 =	sadd.s32 s3, s2  }
0x8d: {  	s2 =	sadd.s32 s2, s16  }
0x8e: {  	[smem:$0x3FC2] =	sst s2  }
0x8f: {  	_ = 	snop  }
0x90: {  	(tm) =	ssettm $0x1  }
0x91: {  	s17 =	sld [smem:$0x3FFB];
	_ =	sdelay $0x3  }
0x92: {  	_ =	strace s17  }
0x93: {  	s2 =	sld [smem:$0x3FFC];
	_ =	sdelay $0x3  }
0x94: {  	_ =	strace s2  }
0x95: {  	s2 =	sld [smem:$0x3FFD];
	_ =	sdelay $0x3  }
0x96: {  	_ =	strace s2  }
0x97: {  	_ =	strace $0x8FFFFFFF  }
0x98: {  	s18 =	sld [smem:$0x3FDB];
	_ =	sdelay $0x1  }
0x99: {  	s19 =	simm.s32 $_scs_section_size  }
0x9a: {  	s4 =	simm.s32 $_size__tile_overlayer_lowered;
	s5 =	simm.s32 $_tile_overlayer_lowered  }
0x9b: {  	s22 =	simm.s32 $0x1BFF;
	s21 =	sshll.u32 s5, $0x1;
	s2 =	sadd.s32 s19, s18  }
0x9c: {  	s6 =	simm.s32 $0x0;
	s20 =	sshll.u32 s4, $0x1;
	s4 =	sadd.s32 s21, s2  }
0x9d: {  	[timem:s6], [sflag:s22] =	dma.local [hbm:s4], s20  }
0x9e: {  	_ =	swait.ge [sflag:s22], s20  }
0x9f: {  	s3 =	ssub.s32 $0x0, s20;
	[sflag:s22] =	ssyncset.done $0x0  }
0xa0: {  	[sflag:s22] =	ssyncadd.s32 s3;
	_ =	sdelay $0x1  }
0xa1: {  	s23 =	simm.s32 $0x1B8B  }
0xa2: {  	_ =	swait.ge [sflag:s23], $0x1  }
0xa3: {  	[sflag:s23] =	ssyncset.done $0x0  }
0xa4: {  	s25 =	simm.s32 $0x1B8E;
	s24 =	sld [smem:$0x3FFE];
	[sflag:s23] =	ssyncadd.s32 $0xFFFFFFFF  }
0xa5: {  	s26 =	simm.s32 $execute0_lowered;
	[smem:$0x3FD2] =	sst s25  }
0xa6: {  	s4 =	sshll.u32 s26, $0x1;
	_ =	strace $0x80000049;
	[dreg:$0x1] =	wrdreg $0xFFFFFFFF  }
0xa7: {  	s28 =	simm.s32 $_size_execute0_lowered;
	s2 =	sadd.s32 s2, s4;
	[dreg:$0x0] =	wrdreg $0x0  }
0xa8: {  	s4 =	sshll.u32 s28, $0x1;
	[dreg:$0x2] =	wrdreg s2  }
0xa9: {  	[dreg:$0x3] =	wrdreg s4  }
0xaa: {  	[dreg:$0x4] =	wrdreg $0xC0  }
0xab: {  	_ =	task [dreg:s6], $0x5FFFF  }
0xac: {  	[dreg:$0x1] =	wrdreg $0xFFFFFFFF  }
0xad: {  	[dreg:$0x0] =	wrdreg $0x60  }
0xae: {  	[dreg:$0x2] =	wrdreg s24  }
0xaf: {  	[dreg:$0x3] =	wrdreg $0xA8000  }
0xb0: {  	[dreg:$0x4] =	wrdreg $0x9  }
0xb1: {  	_ =	task.clear_ibuf [dreg:s6], $0x5FFFF;
	_ =	strace $0x90000049  }
0xb2: {  	s29 =	simm.s32 $0x9;
	_ =	strace $0x8000004B  }
0xb3: {  	_ =	swait.ge [sflag:s29], $0x1  }
0xb4: {  	[sflag:s29] =	ssyncadd.s32 $0xFFFFFFFF  }
0xb5: {  	_ =	strace $0x9000004B  }
0xb6: {  	_ =	sfence  }
0xb7: {  	s30 =	sld [smem:$0x0];
	_ =	sdelay $0x2  }
0xb8: {  	s31 =	sshll.u32 s1, $0xD;
	s1 =	sshrl.u32 s1, $0x2  }
0xb9: {  	s3 =	sand.u32 $0x4000, s31;
	s1 =	sadd.s32 s1, s30  }
0xba: {  	s0 =	sor.u32 s3, s0;
	s1 =	sshll.u32 s1, $0x11  }
0xbb: {  	s0 =	sor.u32 s1, s0  }
0xbc: {  	s0 =	sadd.s32 $0x8F2B, s0  }
0xbd: {  	[sflag:s0] =	ssyncadd.remote.s32 $0x1  }
0xbe: {  	_ =	sfence.sel $0xFFFF  }
0xbf: {  	[dreg:$0x0] =	wrdreg $0xFFFFFFFF;
	(pc) =	sbr.abs _section_cstart, $3  }
0xc0: {  	[dreg:$0x1] =	wrdreg $0xFFFFFFFF  }
0xc1: {  	_ =	task.clear_ibuf [dreg:s6], $0x2FFFF;
	_ =	strace $0x9FFFFFFF  }
0xc2: {  	(tm) =	ssettm $0x7FFFFFFF  }
0xc3: {  	_ =	shalt  }
tec
execute0_lowered:
.L_overlay_start_1:
0x0: {  	(tag) =	ssettag $0x1  }
0x1: {  	s5 =	rddreg [dreg:$0x0]  }
0x2: {  	s1 =	rddreg [dreg:$0x1]  }
0x3: {  	s2 =	simm.s32 $0x0;
	s6 =	srdreg.scid;
	s0 =	stileid.u32  }
0x4: {  	s20 =	simm.s32 $0x80;
	s21 =	simm.s32 $0x6800;
	s22 =	simm.s32 $0x2  }
0x5: {  	s28 =	simm.s32 $0x2700;
	s29 =	simm.s32 $0x2780;
	s23 =	smul.u32 $0x4F000, s0  }
0x6: {  	[smem:$0x7FF] =	sst s2;
	s4 =	sadd.s32 $0x1A400, s5;
	s15 =	smul.u32 $0x2800, s0  }
0x7: {  	s11 =	sand.u32 $0x1, s6;
	s12 =	sadd.s32 $0x10400, s5;
	s24 =	smul.u32 $0x13800, s0  }
0x8: {  	s13 =	sadd.s32 $0x6400, s5;
	s16 =	sadd.s32 $0x68600, s5;
	s26 =	smul.u32 $0x4E000, s0  }
0x9: {  	p0 =	sne.s32 s0, $0x0;
	_ =	strace $0x8000004A;
	s14 =	smul.u32 $0x28000, s11  }
0xa: {  	s7 =	ssub.s32 $0x2, s11;
	s19 =	smul.u32 $0x138800, s11;
	s6 =	sshrl.u32 s23, $0x2  }
0xb: {  	s8 =	sshrl.u32 s7, $0x1;
	s18 =	sadd.s32 $0x1400, s15;
	s23 =	simm.s32 $0x1  }
0xc: {  	s5 =	sadd.s32 s6, s1;
	s17 =	ssub.s32 s7, s8;
	s9 =	sadd.s32 s15, s14  }
0xd: {  	s15 =	sshrl.u32 s15, $0x3;
	s14 =	sadd.s32 s14, s18;
	s25 =	sshrl.u32 s18, $0x3  }
0xe: {  	s30 =	sadd.s32 s24, s19;
	s31 =	sshrl.u32 s19, $0x3;
	s18 =	sshrl.u32 s26, $0x2  }
0xf: {  	s19 =	simm.s32 $0x1400;
	s26 =	simm.s32 $0x1380;
	s3 =	sadd.s32 $0x4000, s5  }
0x10: {  	s7 =	sadd.s32 $0x8000, s5;
	s8 =	sadd.s32 $0xC000, s5;
	s10 =	sshrl.u32 s9, $0x3  }
0x11: {  	s9 =	sadd.s32 $0x10000, s5;
	s11 =	sadd.s32 s13, s15;
	s14 =	sshrl.u32 s14, $0x3  }
0x12: {  	s13 =	sadd.s32 s13, s25;
	s15 =	sadd.s32 s16, s31;
	s24 =	sadd.s32 s18, s1  }
0x13: {  	s25 =	sadd.s32 $0x138000, s1;
	s18 =	simm.s32 $0x3;
	[dreg:$0x3] =	wrdreg s3  }
0x14: {  	s10 =	sadd.s32 s12, s10;
	s12 =	sadd.s32 s12, s14;
	s14 =	sshrl.u32 s30, $0x3  }
0x15: {  	s15 =	sadd.s32 $0x27000, s15;
	s24 =	sshrl.u32 s24, $0x3;
	s25 =	sshrl.u32 @!p0 s25, $0x3  }
0x16: {  	v0 =	vimm.f32 $0.0e+00;
	s14 =	sadd.s32 s16, s14;
	s16 =	smax.u32 s17, $0x1;
	s17 =	simm.s32 $0x2800  }
.LBB2_1:
0x17: {  	s30 =	simm.s32 $0x0;
	s31 =	simm.s32 $0x200  }
.LBB2_2:
0x18: {  	p1 =	sne.s32 s31, $0xFE00;
	[tilespmem:s30+$0x2870] =	vst v0  }
0x19: {  	[tilespmem:s30+$0x2800] =	vst v0  }
0x1a: {  	[tilespmem:s30+$0x2810] =	vst v0  }
.Ltmp0:
0x1b: {  	[tilespmem:s30+$0x2820] =	vst v0;
	(pc) =	sbr.rel @p1 .LBB2_2-.Ltmp0, $4  }
0x1c: {  	[tilespmem:s30+$0x2830] =	vst v0  }
0x1d: {  	[tilespmem:s30+$0x2840] =	vst v0  }
0x1e: {  	[tilespmem:s30+$0x2850] =	vst v0  }
0x1f: {  	[tilespmem:s30+$0x2860] =	vst v0;
	s30 =	sshra.s32 s31, $0x2;
	s31 =	sadd.s32 $0x200, s31  }
0x20: {  	[tilespmem:s30+$0x2870] =	vst v0  }
0x21: {  	[tilespmem:s30+$0x2800] =	vst v0  }
0x22: {  	[tilespmem:s30+$0x2810] =	vst v0  }
0x23: {  	[tilespmem:s30+$0x2820] =	vst v0  }
0x24: {  	[tilespmem:s30+$0x2830] =	vst v0  }
0x25: {  	[tilespmem:s30+$0x2840] =	vst v0  }
0x26: {  	[tilespmem:s30+$0x2850] =	vst v0  }
0x27: {  	[tilespmem:s30+$0x2860] =	vst v0  }
0x28: {  	[spmem:s5] =	stream.linear.scatter [tilespmem:s17], [sflag:$0x3], $0x4000, $0x38;
	[tilespmem:$0x1E400] =	vst v63  }
0x29: {  	_ =	swait.ge [sflag:s18], $0x4000  }
0x2a: {  	[sflag:s18] =	ssyncset.done $0x0  }
0x2b: {  	s0 =	rddreg [dreg:$0x3];
	[sflag:s18] =	ssyncadd.s32 $0xFFFFC000  }
0x2c: {  	[spmem:s0] =	stream.linear.scatter [tilespmem:s17], [sflag:$0x3], $0x4000, $0x38;
	[tilespmem:$0x1E400] =	vst v63  }
0x2d: {  	_ =	swait.ge [sflag:s18], $0x4000  }
0x2e: {  	[sflag:s18] =	ssyncset.done $0x0  }
0x2f: {  	[sflag:s18] =	ssyncadd.s32 $0xFFFFC000  }
0x30: {  	[spmem:s7] =	stream.linear.scatter [tilespmem:s17], [sflag:$0x3], $0x4000, $0x38;
	[tilespmem:$0x1E400] =	vst v63  }
0x31: {  	_ =	swait.ge [sflag:s18], $0x4000  }
0x32: {  	[sflag:s18] =	ssyncset.done $0x0  }
0x33: {  	[sflag:s18] =	ssyncadd.s32 $0xFFFFC000  }
0x34: {  	[spmem:s8] =	stream.linear.scatter [tilespmem:s17], [sflag:$0x3], $0x4000, $0x38;
	[tilespmem:$0x1E400] =	vst v63  }
0x35: {  	_ =	swait.ge [sflag:s18], $0x4000  }
0x36: {  	[sflag:s18] =	ssyncset.done $0x0  }
0x37: {  	[sflag:s18] =	ssyncadd.s32 $0xFFFFC000  }
0x38: {  	[spmem:s9] =	stream.linear.scatter [tilespmem:s17], [sflag:$0x3], $0x3C00, $0x38;
	[tilespmem:$0x1E400] =	vst v63  }
0x39: {  	_ =	swait.ge [sflag:s18], $0x3C00  }
0x3a: {  	[sflag:s18] =	ssyncset.done $0x0  }
0x3b: {  	[sflag:s18] =	ssyncadd.s32 $0xFFFFC400  }
0x3c: {  	s30 =	simm.s32 $0x0;
	[bflag:$0x0] =	sbarrier.arrive $0xFFFF  }
0x3d: {  	[tilespmem:s30], [sflag:$0x3] =	stream.linear.gather [hbm4b:s10+s30], $0x1400, $0x38;
	[tilespmem:$0x1E400] =	vst v63  }
0x3e: {  	_ =	swait.ge [sflag:s18], $0x1400  }
0x3f: {  	[sflag:s18] =	ssyncset.done $0x0  }
0x40: {  	[sflag:s18] =	ssyncadd.s32 $0xFFFFEC00  }
0x41: {  	[tilespmem:s19], [sflag:$0x3] =	stream.linear.gather [hbm4b:s11+s30], $0x1400, $0x38;
	[tilespmem:$0x1E400] =	vst v63  }
0x42: {  	_ =	swait.ge [sflag:s18], $0x1400  }
0x43: {  	[sflag:s18] =	ssyncset.done $0x0  }
0x44: {  	[sflag:s18] =	ssyncadd.s32 $0xFFFFEC00  }
0x45: {  	[tilespmem:s17], [sflag:$0x3] =	stream.indirect.gather [hbm4b:s4+s20], $0x80, s30, s20, $0xb8;
	[tilespmem:$0x1E400] =	vst v63  }
0x46: {  	_ =	swait.ge [sflag:s18], $0x4000  }
0x47: {  	[sflag:s18] =	ssyncset.done $0x0  }
0x48: {  	s30 =	simm.s32 $0x80;
	[sflag:s18] =	ssyncadd.s32 $0xFFFFC000  }
0x49: {  	[tilespmem:s21], [sflag:$0x2] =	stream.indirect.gather [hbm4b:s4+s20], $0x80, s30, s20, $0xb8;
	[tilespmem:$0x1E400] =	vst v63  }
0x4a: {  	s30 =	simm.s32 $0x1400  }
0x4b: {  	[spmem:s1] =	stream.indirect.scatter.add.f32 [tilespmem:s17], [sflag:$0x3], $0x80, s30, s20, $0xb8;
	[tilespmem:$0x1E400] =	vst v63  }
0x4c: {  	_ =	swait.ge [sflag:s18], $0x4000  }
0x4d: {  	[sflag:s18] =	ssyncset.done $0x0  }
0x4e: {  	[sflag:s18] =	ssyncadd.s32 $0xFFFFC000  }
0x4f: {  	_ =	swait.ge [sflag:s22], $0x4000  }
0x50: {  	[sflag:s22] =	ssyncset.done $0x0  }
0x51: {  	s30 =	simm.s32 $0x100;
	[sflag:s22] =	ssyncadd.s32 $0xFFFFC000  }
0x52: {  	[tilespmem:s17], [sflag:$0x1] =	stream.indirect.gather [hbm4b:s4+s20], $0x80, s30, s20, $0xb8;
	[tilespmem:$0x1E400] =	vst v63  }
0x53: {  	s30 =	simm.s32 $0x1480  }
0x54: {  	[spmem:s1] =	stream.indirect.scatter.add.f32 [tilespmem:s21], [sflag:$0x3], $0x80, s30, s20, $0xb8;
	[tilespmem:$0x1E400] =	vst v63  }
0x55: {  	_ =	swait.ge [sflag:s18], $0x4000  }
0x56: {  	[sflag:s18] =	ssyncset.done $0x0  }
0x57: {  	[sflag:s18] =	ssyncadd.s32 $0xFFFFC000  }
0x58: {  	_ =	swait.ge [sflag:s23], $0x4000  }
0x59: {  	s31 =	simm.s32 $0x800;
	s30 =	simm.s32 $0x100;
	[sflag:s23] =	ssyncset.done $0x0  }
.LBB2_4:
0x5a: {  	s0 =	sadd.s32 $0x80, s30  }
0x5b: {  	[sflag:s23] =	ssyncadd.s32 $0xFFFFC000;
	s3 =	smov.u32 s31;
	s6 =	sadd.s32 $0x400, s31  }
0x5c: {  	[tilespmem:s21], [sflag:$0x2] =	stream.indirect.gather [hbm4b:s4+s20], $0x80, s0, s20, $0xb8;
	[tilespmem:$0x1E400] =	vst v63  }
0x5d: {  	p1 =	sne.s32 s31, $0x4800;
	s0 =	sadd.s32 $0x1400, s30  }
0x5e: {  	[spmem:s1] =	stream.indirect.scatter.add.f32 [tilespmem:s17], [sflag:$0x3], $0x80, s0, s20, $0xb8;
	[tilespmem:$0x1E400] =	vst v63  }
0x5f: {  	_ =	swait.ge [sflag:s18], $0x4000  }
0x60: {  	[sflag:s18] =	ssyncset.done $0x0  }
0x61: {  	[sflag:s18] =	ssyncadd.s32 $0xFFFFC000  }
0x62: {  	_ =	swait.ge [sflag:s22], $0x4000  }
0x63: {  	[sflag:s22] =	ssyncset.done $0x0  }
0x64: {  	s0 =	sadd.s32 $0x100, s30;
	[sflag:s22] =	ssyncadd.s32 $0xFFFFC000  }
0x65: {  	[tilespmem:s17], [sflag:$0x1] =	stream.indirect.gather [hbm4b:s4+s20], $0x80, s0, s20, $0xb8;
	[tilespmem:$0x1E400] =	vst v63  }
0x66: {  	s0 =	sadd.s32 $0x1480, s30  }
0x67: {  	[spmem:s1] =	stream.indirect.scatter.add.f32 [tilespmem:s21], [sflag:$0x3], $0x80, s0, s20, $0xb8;
	[tilespmem:$0x1E400] =	vst v63  }
.Ltmp1:
0x68: {  	_ =	swait.ge [sflag:s18], $0x4000;
	(pc) =	sbr.rel @p1 .LBB2_4-.Ltmp1, $4  }
0x69: {  	[sflag:s18] =	ssyncset.done $0x0  }
0x6a: {  	[sflag:s18] =	ssyncadd.s32 $0xFFFFC000  }
0x6b: {  	_ =	swait.ge [sflag:s23], $0x4000  }
0x6c: {  	s31 =	smov.u32 s6;
	s30 =	sshra.s32 s3, $0x2;
	[sflag:s23] =	ssyncset.done $0x0  }
0x6d: {  	s0 =	sadd.s32 $0x80, s30;
	[sflag:s23] =	ssyncadd.s32 $0xFFFFC000  }
0x6e: {  	[tilespmem:s21], [sflag:$0x2] =	stream.indirect.gather [hbm4b:s4+s20], $0x80, s0, s20, $0xb8;
	[tilespmem:$0x1E400] =	vst v63  }
0x6f: {  	s3 =	sadd.s32 $0x1400, s30  }
0x70: {  	[spmem:s1] =	stream.indirect.scatter.add.f32 [tilespmem:s17], [sflag:$0x3], $0x80, s3, s20, $0xb8;
	[tilespmem:$0x1E400] =	vst v63  }
0x71: {  	_ =	swait.ge [sflag:s18], $0x4000  }
0x72: {  	[sflag:s18] =	ssyncset.done $0x0  }
0x73: {  	[sflag:s18] =	ssyncadd.s32 $0xFFFFC000  }
0x74: {  	_ =	swait.ge [sflag:s22], $0x4000  }
0x75: {  	[sflag:s22] =	ssyncset.done $0x0  }
0x76: {  	s6 =	sadd.s32 $0x100, s30;
	[sflag:s22] =	ssyncadd.s32 $0xFFFFC000  }
0x77: {  	[tilespmem:s17], [sflag:$0x1] =	stream.indirect.gather [hbm4b:s4+s20], $0x80, s6, s20, $0xb8;
	[tilespmem:$0x1E400] =	vst v63  }
0x78: {  	s3 =	sadd.s32 $0x1480, s30  }
0x79: {  	[spmem:s1] =	stream.indirect.scatter.add.f32 [tilespmem:s21], [sflag:$0x3], $0x80, s3, s20, $0xb8;
	[tilespmem:$0x1E400] =	vst v63  }
0x7a: {  	_ =	swait.ge [sflag:s18], $0x4000  }
0x7b: {  	[sflag:s18] =	ssyncset.done $0x0  }
0x7c: {  	[sflag:s18] =	ssyncadd.s32 $0xFFFFC000  }
0x7d: {  	_ =	swait.ge [sflag:s23], $0x4000  }
0x7e: {  	[sflag:s23] =	ssyncset.done $0x0  }
0x7f: {  	[sflag:s23] =	ssyncadd.s32 $0xFFFFC000  }
0x80: {  	[tilespmem:s21], [sflag:$0x2] =	stream.indirect.gather [hbm4b:s4+s20], $0x80, s26, s20, $0xb8;
	[tilespmem:$0x1E400] =	vst v63  }
0x81: {  	_ = 	snop  }
0x82: {  	[spmem:s1] =	stream.indirect.scatter.add.f32 [tilespmem:s17], [sflag:$0x3], $0x80, s28, s20, $0xb8;
	[tilespmem:$0x1E400] =	vst v63  }
0x83: {  	_ =	swait.ge [sflag:s18], $0x4000  }
0x84: {  	[sflag:s18] =	ssyncset.done $0x0  }
0x85: {  	[sflag:s18] =	ssyncadd.s32 $0xFFFFC000  }
0x86: {  	_ =	swait.ge [sflag:s22], $0x4000  }
0x87: {  	[sflag:s22] =	ssyncset.done $0x0  }
0x88: {  	[sflag:s22] =	ssyncadd.s32 $0xFFFFC000  }
0x89: {  	[spmem:s1] =	stream.indirect.scatter.add.f32 [tilespmem:s21], [sflag:$0x3], $0x80, s29, s20, $0xb8;
	[tilespmem:$0x1E400] =	vst v63  }
0x8a: {  	_ =	swait.ge [sflag:s18], $0x4000  }
0x8b: {  	[sflag:s18] =	ssyncset.done $0x0  }
0x8c: {  	s6 =	simm.s32 $0x0;
	[sflag:s18] =	ssyncadd.s32 $0xFFFFC000  }
0x8d: {  	[tilespmem:s6], [sflag:$0x3] =	stream.linear.gather [hbm4b:s12+s6], $0x1400, $0x38;
	[tilespmem:$0x1E400] =	vst v63  }
0x8e: {  	_ =	swait.ge [sflag:s18], $0x1400  }
0x8f: {  	[sflag:s18] =	ssyncset.done $0x0  }
0x90: {  	[sflag:s18] =	ssyncadd.s32 $0xFFFFEC00  }
0x91: {  	[tilespmem:s19], [sflag:$0x3] =	stream.linear.gather [hbm4b:s13+s6], $0x1400, $0x38;
	[tilespmem:$0x1E400] =	vst v63  }
0x92: {  	_ =	swait.ge [sflag:s18], $0x1400  }
0x93: {  	[sflag:s18] =	ssyncset.done $0x0  }
0x94: {  	[sflag:s18] =	ssyncadd.s32 $0xFFFFEC00  }
0x95: {  	[tilespmem:s17], [sflag:$0x3] =	stream.indirect.gather [hbm4b:s4+s20], $0x80, s6, s20, $0xb8;
	[tilespmem:$0x1E400] =	vst v63  }
0x96: {  	_ =	swait.ge [sflag:s18], $0x4000  }
0x97: {  	[sflag:s18] =	ssyncset.done $0x0  }
0x98: {  	s3 =	simm.s32 $0x80;
	[sflag:s18] =	ssyncadd.s32 $0xFFFFC000  }
0x99: {  	[tilespmem:s21], [sflag:$0x2] =	stream.indirect.gather [hbm4b:s4+s20], $0x80, s3, s20, $0xb8;
	[tilespmem:$0x1E400] =	vst v63  }
0x9a: {  	s6 =	simm.s32 $0x1400  }
0x9b: {  	[spmem:s1] =	stream.indirect.scatter.add.f32 [tilespmem:s17], [sflag:$0x3], $0x80, s6, s20, $0xb8;
	[tilespmem:$0x1E400] =	vst v63  }
0x9c: {  	_ =	swait.ge [sflag:s18], $0x4000  }
0x9d: {  	[sflag:s18] =	ssyncset.done $0x0  }
0x9e: {  	[sflag:s18] =	ssyncadd.s32 $0xFFFFC000  }
0x9f: {  	_ =	swait.ge [sflag:s22], $0x4000  }
0xa0: {  	[sflag:s22] =	ssyncset.done $0x0  }
0xa1: {  	s3 =	simm.s32 $0x100;
	[sflag:s22] =	ssyncadd.s32 $0xFFFFC000  }
0xa2: {  	[tilespmem:s17], [sflag:$0x1] =	stream.indirect.gather [hbm4b:s4+s20], $0x80, s3, s20, $0xb8;
	[tilespmem:$0x1E400] =	vst v63  }
0xa3: {  	s6 =	simm.s32 $0x1480  }
0xa4: {  	[spmem:s1] =	stream.indirect.scatter.add.f32 [tilespmem:s21], [sflag:$0x3], $0x80, s6, s20, $0xb8;
	[tilespmem:$0x1E400] =	vst v63  }
0xa5: {  	_ =	swait.ge [sflag:s18], $0x4000  }
0xa6: {  	[sflag:s18] =	ssyncset.done $0x0  }
0xa7: {  	[sflag:s18] =	ssyncadd.s32 $0xFFFFC000  }
0xa8: {  	_ =	swait.ge [sflag:s23], $0x4000  }
0xa9: {  	s31 =	simm.s32 $0x800;
	s30 =	simm.s32 $0x100;
	[sflag:s23] =	ssyncset.done $0x0  }
.LBB2_6:
0xaa: {  	s0 =	sadd.s32 $0x80, s30  }
0xab: {  	[sflag:s23] =	ssyncadd.s32 $0xFFFFC000;
	s3 =	smov.u32 s31;
	s6 =	sadd.s32 $0x400, s31  }
0xac: {  	[tilespmem:s21], [sflag:$0x2] =	stream.indirect.gather [hbm4b:s4+s20], $0x80, s0, s20, $0xb8;
	[tilespmem:$0x1E400] =	vst v63  }
0xad: {  	p1 =	sne.s32 s31, $0x4800;
	s0 =	sadd.s32 $0x1400, s30  }
0xae: {  	[spmem:s1] =	stream.indirect.scatter.add.f32 [tilespmem:s17], [sflag:$0x3], $0x80, s0, s20, $0xb8;
	[tilespmem:$0x1E400] =	vst v63  }
0xaf: {  	_ =	swait.ge [sflag:s18], $0x4000  }
0xb0: {  	[sflag:s18] =	ssyncset.done $0x0  }
0xb1: {  	[sflag:s18] =	ssyncadd.s32 $0xFFFFC000  }
0xb2: {  	_ =	swait.ge [sflag:s22], $0x4000  }
0xb3: {  	[sflag:s22] =	ssyncset.done $0x0  }
0xb4: {  	s0 =	sadd.s32 $0x100, s30;
	[sflag:s22] =	ssyncadd.s32 $0xFFFFC000  }
0xb5: {  	[tilespmem:s17], [sflag:$0x1] =	stream.indirect.gather [hbm4b:s4+s20], $0x80, s0, s20, $0xb8;
	[tilespmem:$0x1E400] =	vst v63  }
0xb6: {  	s0 =	sadd.s32 $0x1480, s30  }
0xb7: {  	[spmem:s1] =	stream.indirect.scatter.add.f32 [tilespmem:s21], [sflag:$0x3], $0x80, s0, s20, $0xb8;
	[tilespmem:$0x1E400] =	vst v63  }
.Ltmp2:
0xb8: {  	_ =	swait.ge [sflag:s18], $0x4000;
	(pc) =	sbr.rel @p1 .LBB2_6-.Ltmp2, $4  }
0xb9: {  	[sflag:s18] =	ssyncset.done $0x0  }
0xba: {  	[sflag:s18] =	ssyncadd.s32 $0xFFFFC000  }
0xbb: {  	_ =	swait.ge [sflag:s23], $0x4000  }
0xbc: {  	s31 =	smov.u32 s6;
	s30 =	sshra.s32 s3, $0x2;
	[sflag:s23] =	ssyncset.done $0x0  }
0xbd: {  	s0 =	sadd.s32 $0x80, s30;
	[sflag:s23] =	ssyncadd.s32 $0xFFFFC000  }
0xbe: {  	[tilespmem:s21], [sflag:$0x2] =	stream.indirect.gather [hbm4b:s4+s20], $0x80, s0, s20, $0xb8;
	[tilespmem:$0x1E400] =	vst v63  }
0xbf: {  	s3 =	sadd.s32 $0x1400, s30  }
0xc0: {  	[spmem:s1] =	stream.indirect.scatter.add.f32 [tilespmem:s17], [sflag:$0x3], $0x80, s3, s20, $0xb8;
	[tilespmem:$0x1E400] =	vst v63  }
0xc1: {  	_ =	swait.ge [sflag:s18], $0x4000  }
0xc2: {  	[sflag:s18] =	ssyncset.done $0x0  }
0xc3: {  	[sflag:s18] =	ssyncadd.s32 $0xFFFFC000  }
0xc4: {  	_ =	swait.ge [sflag:s22], $0x4000  }
0xc5: {  	[sflag:s22] =	ssyncset.done $0x0  }
0xc6: {  	s6 =	sadd.s32 $0x100, s30;
	[sflag:s22] =	ssyncadd.s32 $0xFFFFC000  }
0xc7: {  	[tilespmem:s17], [sflag:$0x1] =	stream.indirect.gather [hbm4b:s4+s20], $0x80, s6, s20, $0xb8;
	[tilespmem:$0x1E400] =	vst v63  }
0xc8: {  	s30 =	sadd.s32 $0x1480, s30  }
0xc9: {  	[spmem:s1] =	stream.indirect.scatter.add.f32 [tilespmem:s21], [sflag:$0x3], $0x80, s30, s20, $0xb8;
	[tilespmem:$0x1E400] =	vst v63  }
0xca: {  	_ =	swait.ge [sflag:s18], $0x4000  }
0xcb: {  	[sflag:s18] =	ssyncset.done $0x0  }
0xcc: {  	[sflag:s18] =	ssyncadd.s32 $0xFFFFC000  }
0xcd: {  	_ =	swait.ge [sflag:s23], $0x4000  }
0xce: {  	[sflag:s23] =	ssyncset.done $0x0  }
0xcf: {  	[sflag:s23] =	ssyncadd.s32 $0xFFFFC000  }
0xd0: {  	[tilespmem:s21], [sflag:$0x2] =	stream.indirect.gather [hbm4b:s4+s20], $0x80, s26, s20, $0xb8;
	[tilespmem:$0x1E400] =	vst v63  }
0xd1: {  	_ = 	snop  }
0xd2: {  	[spmem:s1] =	stream.indirect.scatter.add.f32 [tilespmem:s17], [sflag:$0x3], $0x80, s28, s20, $0xb8;
	[tilespmem:$0x1E400] =	vst v63  }
0xd3: {  	_ =	swait.ge [sflag:s18], $0x4000  }
0xd4: {  	[sflag:s18] =	ssyncset.done $0x0  }
0xd5: {  	[sflag:s18] =	ssyncadd.s32 $0xFFFFC000  }
0xd6: {  	_ =	swait.ge [sflag:s22], $0x4000  }
0xd7: {  	[sflag:s22] =	ssyncset.done $0x0  }
0xd8: {  	[sflag:s22] =	ssyncadd.s32 $0xFFFFC000  }
0xd9: {  	[spmem:s1] =	stream.indirect.scatter.add.f32 [tilespmem:s21], [sflag:$0x3], $0x80, s29, s20, $0xb8;
	[tilespmem:$0x1E400] =	vst v63  }
0xda: {  	_ =	swait.ge [sflag:s18], $0x4000  }
0xdb: {  	s31 =	stileid.u32;
	[sflag:s18] =	ssyncset.done $0x0  }
0xdc: {  	s0 =	sshll.u32 s31, $0x6;
	[sflag:s18] =	ssyncadd.s32 $0xFFFFC000  }
0xdd: {  	s0 =	sor.u32 $0x1C03, s0;
	[bflag:$0x0] =	sbarrier.arrive $0xFFFF  }
0xde: {  	[hbm:s14], [sflag:s0] =	dma.local [spmem:s24], $0x2700  }
0xdf: {  	_ =	swait.ge [sflag:s18], $0x2700  }
0xe0: {  	s2 =	sadd.s32 $0x1, s2;
	[sflag:s18] =	ssyncset.done $0x0  }
0xe1: {  	p1 =	sne.s32 s2, s16;
	[sflag:s18] =	ssyncadd.s32 $0xFFFFD900  }
0xe2: {  	[hbm:s15], [sflag:s0] =	dma.local @!p0 [spmem:s25], $0x100  }
.Ltmp3:
0xe3: {  	_ = 	snop;
	(pc) =	sbr.rel @p1 .LBB2_1-.Ltmp3, $4  }
0xe4: {  	s0 =	simm.s32 @!p0 $0x3  }
0xe5: {  	_ =	swait.ge @!p0 [sflag:s0], $0x100  }
0xe6: {  	[sflag:s0] =	ssyncset.done @!p0 $0x0  }
0xe7: {  	[sflag:s0] =	ssyncadd.s32 @!p0 $0xFFFFFF00  }
0xe8: {  	_ =	sfence.sel $0x180000  }
0xe9: {  	[bflag:$0x0] =	sbarrier.arrive $0xFFFF  }
0xea: {  	_ =	strace $0x9000004A  }
0xeb: {  	[bflag:$0x2] =	sbarrier.arrive $0xFFFF  }
0xec: {  	s0 =	rddreg [dreg:$0x2]  }
0xed: {  	s0 =	sadd.s32 @!p0 $0x100000, s0  }
0xee: {  	[sflag:s0] =	ssyncadd.tile.s32 @!p0 $0x1;
	_ =	shalt  }
.Lfunc_end2:
_tile_overlayer_lowered:
.L_overlay_start_2:
0xef: {  	(tag) =	ssettag $0x2  }
0xf0: {  	s0 =	rddreg [dreg:$0x0];
	s2 =	stileid.u32  }
0xf1: {  	s1 =	rddreg [dreg:$0x1];
	p0 =	sne.s32 s2, $0x0  }
0xf2: {  	s3 =	rddreg [dreg:$0x2];
	[bflag:$0x3] =	sbarrier.arrive $0xFFFF;
	s2 =	simm.s32 @!p0 $0x1C03  }
0xf3: {  	[timem:s3], [sflag:s2] =	dma.local @!p0 [hbm:s0], s1  }
0xf4: {  	s0 =	simm.s32 @!p0 $0x3  }
0xf5: {  	_ =	swait.ge @!p0 [sflag:s0], s1  }
0xf6: {  	s1 =	ssub.s32 @!p0 $0x0, s1;
	[sflag:s0] =	ssyncset.done @!p0 $0x0  }
0xf7: {  	[sflag:s0] =	ssyncadd.s32 @!p0 s1  }
0xf8: {  	[bflag:$0x3] =	sbarrier.arrive $0xFFFF  }
0xf9: {  	_ =	shalt  }

</sc_bundles>
